<compile_context>
chip_gen: v7x
topology: tpu7x:2x2x1
jax: 0.10.2.dev20260603
libtpu: 0.0.44.dev20260713+nightly
codegen_flags: <defaults>
</compile_context>

<pallas_src>
import functools

import jax
import jax.numpy as jnp
from jax import lax
from jax.experimental import pallas as pl
from jax.experimental.pallas import tpu as pltpu
from jax.experimental.pallas import tpu_sc as plsc

B, C_IN, C_OUT, N, MU = 4, 16, 16, 4096, 3
OLVIDO = 0.5
K = 2
NP = N + 2 * K
NC, NS = 2, 16
NW = NC * NS
NSL = B * MU * N
RPW = NSL // NW
CHUNK = 128
NCH = RPW // CHUNK
PAIR = 2 * C_IN


def _prep_body(x_ref, wdw_ref, wm_ref, idx_ref, aw_ref, xp2_ref):
    xb = x_ref[0]
    nl = lax.broadcasted_iota(jnp.int32, (C_IN, N), 1)
    xm1 = jnp.where(nl >= 1, pltpu.roll(xb, 1, axis=1), 0.0)
    xp1 = jnp.where(nl <= N - 2, pltpu.roll(xb, N - 1, axis=1), 0.0)
    shifts = (xm1, xb, xp1)
    off = jnp.zeros((MU, N), jnp.float32)
    mi = jnp.zeros((MU, N), jnp.float32)
    for dk in range(MU):
        off = off + jnp.dot(wdw_ref[:, :, dk], shifts[dk],
                            preferred_element_type=jnp.float32)
        mi = mi + jnp.dot(wm_ref[:, :, dk], shifts[dk],
                          preferred_element_type=jnp.float32)
    mdl = 1.0 / (1.0 + jnp.exp(-mi))
    n_i = lax.broadcasted_iota(jnp.int32, (MU, N), 1)
    m_i = lax.broadcasted_iota(jnp.int32, (MU, N), 0)
    off_i = off.astype(jnp.int32)
    frac = off - off_i.astype(jnp.float32)
    af = jnp.abs(frac)
    up = frac >= 0
    g0 = n_i + m_i - (MU // 2) + off_i
    g1 = g0 + jnp.where(up, 1, -1).astype(jnp.int32)
    a0 = (1.0 - OLVIDO) * (1.0 - af) * mdl \
        * ((g0 >= 0) & (g0 < N)).astype(jnp.float32)
    a1 = (1.0 - OLVIDO) * af * mdl \
        * ((g1 >= 0) & (g1 < N)).astype(jnp.float32)
    w_lo = jnp.where(up, a0, a1)
    w_hi = jnp.where(up, a1, a0)
    g_lo = jnp.minimum(g0, g1)
    bofs = pl.program_id(0) * NP + K
    idx_ref[0] = jnp.transpose(
        bofs + jnp.clip(g_lo, -K, N + K - 2), (1, 0))
    aw_ref[0] = jnp.transpose(
        jnp.concatenate([w_lo, w_hi, mdl], axis=0), (1, 0))
    xT = jnp.transpose(xb, (1, 0))
    zk = jnp.zeros((K, C_IN), jnp.float32)
    xp2_ref[0, 0:K, 0:C_IN] = zk
    xp2_ref[0, K:K + N, 0:C_IN] = xT
    xp2_ref[0, K + N:NP, 0:C_IN] = zk
    xp2_ref[0, 0:K - 1, C_IN:PAIR] = zk[:K - 1]
    xp2_ref[0, K - 1:K - 1 + N, C_IN:PAIR] = xT
    xp2_ref[0, K - 1 + N:NP, C_IN:PAIR] = jnp.zeros((K + 1, C_IN), jnp.float32)


_PREP_SPECS = dict(
    grid=(B,),
    in_specs=[
        pl.BlockSpec((1, C_IN, N), lambda b: (b, 0, 0)),
        pl.BlockSpec((MU, C_IN, MU), lambda b: (0, 0, 0)),
        pl.BlockSpec((MU, C_IN, MU), lambda b: (0, 0, 0)),
    ],
    out_specs=[
        pl.BlockSpec((1, N, MU), lambda b: (b, 0, 0)),
        pl.BlockSpec((1, N, 3 * MU), lambda b: (b, 0, 0)),
        pl.BlockSpec((1, NP, PAIR), lambda b: (b, 0, 0)),
    ],
    out_shape=[
        jax.ShapeDtypeStruct((B, N, MU), jnp.int32),
        jax.ShapeDtypeStruct((B, N, 3 * MU), jnp.float32),
        jax.ShapeDtypeStruct((B, NP, PAIR), jnp.float32),
    ],
)

_prep = pl.pallas_call(_prep_body, **_PREP_SPECS)


@functools.cache
def _make_sc_gather():
    @functools.partial(
        pl.kernel,
        mesh=plsc.VectorSubcoreMesh(core_axis_name="c", subcore_axis_name="s"),
        out_type=jax.ShapeDtypeStruct((NW, RPW, PAIR), jnp.float32),
        scratch_types=[
            pltpu.VMEM((NCH, CHUNK), jnp.int32),
            pltpu.VMEM((RPW, PAIR), jnp.float32),
            pltpu.SemaphoreType.DMA,
        ],
        compiler_params=pltpu.CompilerParams(use_tc_tiling_on_sc=False),
    )
    def _sc_gather(idx_hbm, table_hbm, out_hbm, idx_v, rows_v, sem):
        wid = lax.axis_index("s") * NC + lax.axis_index("c")
        pltpu.sync_copy(idx_hbm.at[wid], idx_v)
        copies = [
            pltpu.async_copy(table_hbm.at[idx_v.at[j]],
                             rows_v.at[pl.ds(j * CHUNK, CHUNK)], sem)
            for j in range(NCH)
        ]
        for cp in copies:
            cp.wait()
        pltpu.sync_copy(rows_v, out_hbm.at[wid])

    return _sc_gather


def _gather_rows(idx_flat, table):
    return _make_sc_gather()(idx_flat, table)


def _wt_list(w_ref):
    return [jnp.transpose(w_ref[:, :, m], (1, 0)) for m in range(MU)]


def _comb_body(xp2_ref, w_ref, dw_ref, aw_ref, b_ref, r_ref, y_ref):
    wT = _wt_list(w_ref)
    wS = jnp.concatenate(wT, axis=1)
    dwT = jnp.concatenate(
        [jnp.transpose(dw_ref[:, :, m], (1, 0)) for m in range(MU)], axis=1)
    ti = dwT.astype(jnp.int32)
    frac = dwT - ti.astype(jnp.float32)
    af = jnp.abs(frac)
    m_col = lax.broadcasted_iota(jnp.int32, (C_IN, MU * C_OUT), 1) // C_OUT
    s0 = m_col - (MU // 2) + ti
    s1 = s0 + jnp.where(frac >= 0, 1, -1).astype(jnp.int32)
    w0 = OLVIDO * wS * (1.0 - af)
    w1 = OLVIDO * wS * af
    ts = jnp.zeros((N, MU * C_OUT), jnp.float32)
    for k in range(-K, K + 1):
        ak = (w0 * (s0 == k).astype(jnp.float32)
              + w1 * (s1 == k).astype(jnp.float32))
        ts = ts + jnp.dot(xp2_ref[0, k + K:k + K + N, 0:C_IN], ak,
                          preferred_element_type=jnp.float32)
    ys = jnp.transpose(b_ref[0], (1, 0))
    for m in range(MU):
        ys = ys + aw_ref[0, :, 2 * MU + m:2 * MU + m + 1] \
            * ts[:, m * C_OUT:(m + 1) * C_OUT]
    wcat = jnp.concatenate(
        [wT[0], wT[0], wT[1], wT[1], wT[2], wT[2]], axis=0)
    p = lax.broadcasted_iota(jnp.int32, (2 * MU, MU * PAIR), 1) // C_IN
    j = lax.broadcasted_iota(jnp.int32, (2 * MU, MU * PAIR), 0)
    e = ((p % 2) * MU + p // 2 == j).astype(jnp.float32)
    awx = jnp.dot(aw_ref[0, :, 0:2 * MU], e,
                  preferred_element_type=jnp.float32)
    y = jnp.dot(awx * r_ref[0], wcat,
                preferred_element_type=jnp.float32) + ys
    y_ref[0] = jnp.transpose(y, (1, 0))


_COMB_SPECS = dict(
    grid=(B,),
    in_specs=[
        pl.BlockSpec((1, NP, PAIR), lambda b: (b, 0, 0)),
        pl.BlockSpec((C_OUT, C_IN, MU), lambda b: (0, 0, 0)),
        pl.BlockSpec((C_OUT, C_IN, MU), lambda b: (0, 0, 0)),
        pl.BlockSpec((1, N, 3 * MU), lambda b: (b, 0, 0)),
        pl.BlockSpec((1, C_OUT, 1), lambda b: (0, 0, 0)),
        pl.BlockSpec((1, N, MU * PAIR), lambda b: (b, 0, 0)),
    ],
    out_specs=pl.BlockSpec((1, C_OUT, N), lambda b: (b, 0, 0)),
    out_shape=jax.ShapeDtypeStruct((B, C_OUT, N), jnp.float32),
)

_comb = pl.pallas_call(_comb_body, **_COMB_SPECS)


def kernel(x, w, b, dw_e, w_dw_d, w_m):
    idx, aw, xp2 = _prep(x, w_dw_d, w_m)
    idx_flat = idx.reshape(NW, NCH, CHUNK)
    table = xp2.reshape(B * NP, PAIR)
    rows = _gather_rows(idx_flat, table)
    rcat = rows.reshape(B, N, MU * PAIR)
    return _comb(xp2, w, dw_e, aw, b, rcat)

# --- scband reference (transcript-rebuilt; emitter-appended) ---
"""Pipeline reference for scband-convolucion-transformable-1443109012288 (READ-ONLY COPY).

The authoritative reference and input builder live on the scoring server;
editing this copy changes nothing except your own understanding.
"""

import jax, jax.numpy as jnp
import numpy as np

B, C_IN, C_OUT, N, MU, DIL = 4, 16, 16, 4096, 3, 1
OLVIDO = 0.5
EPS = 0.1


def _conv1d(x, w, padding, dilation):
    return jax.lax.conv_general_dilated(x, w, window_strides=(1,), padding=[(padding, padding)], rhs_dilation=(dilation,), dimension_numbers=('NCH', 'OIH', 'NCH'))


def setup_inputs(seed: int = 0):
    key = jax.random.key(seed)
    ks = jax.random.split(key, 6)
    std = 1.0 / np.sqrt(C_IN * MU)
    x = jax.random.normal(ks[0], (B, C_IN, N), jnp.float32)
    w = jax.random.normal(ks[1], (C_OUT, C_IN, MU), jnp.float32) * std
    b = jax.random.normal(ks[2], (1, C_OUT, 1), jnp.float32) * std
    dw_e = jax.random.normal(ks[3], (C_OUT, C_IN, MU), jnp.float32) * EPS
    w_dw_d = jax.random.normal(ks[4], (MU, C_IN, MU), jnp.float32) * EPS
    w_m = jnp.zeros((MU, C_IN, MU), jnp.float32)
    return {"x": x, "w": w, "b": b, "dw_e": dw_e, "w_dw_d": w_dw_d, "w_m": w_m}


def reference(x, w, b, dw_e, w_dw_d, w_m):
    Bb = x.shape[0]
    n = jnp.arange(N, dtype=jnp.int32)
    mus = jnp.arange(MU, dtype=jnp.int32)
    base = n[:, None] + DIL * (mus[None, :] - MU // 2)  # (N, MU) int32

    def gather_x(idx):
        # idx: (Bb, C_OUT, C_IN, N, MU) int32 in [0, N)
        xb = jnp.broadcast_to(x[:, None, :, :], (Bb, C_OUT, C_IN, N))
        g = jnp.take_along_axis(xb, idx.reshape(Bb, C_OUT, C_IN, N * MU), axis=3)
        return g.reshape(Bb, C_OUT, C_IN, N, MU)

    X5 = jnp.zeros((Bb, C_OUT, C_IN, N, MU), jnp.float32)

    # ---- static (estatico) branch ----
    dwe_i = dw_e.astype(jnp.int32)  # trunc toward zero, like torch .int()
    frac_e = dw_e - dwe_i.astype(jnp.float32)
    g0e = base[None, None, :, :] + dwe_i[:, :, None, :]  # (C_OUT, C_IN, N, MU)
    step_e = jnp.where(frac_e >= 0, 1, -1).astype(jnp.int32)  # heaviside(frac,1)*2-1
    g1e = g0e + step_e[:, :, None, :]
    g0eB = jnp.broadcast_to(g0e[None], (Bb, C_OUT, C_IN, N, MU))
    g1eB = jnp.broadcast_to(g1e[None], (Bb, C_OUT, C_IN, N, MU))
    c1e = ((g0eB >= 0) & (g0eB < N)).astype(jnp.float32)
    c2e = ((g1eB >= 0) & (g1eB < N)).astype(jnp.float32)
    afe = jnp.abs(frac_e)[None, :, :, None, :]
    X5 = X5 + c1e * (OLVIDO * (1.0 - afe) * gather_x(jnp.clip(g0eB, 0, N - 1)))
    X5 = X5 + c2e * (OLVIDO * afe * gather_x(jnp.clip(g1eB, 0, N - 1)))

    # ---- dynamic (dinamico) branch ----
    pad = (MU + (MU - 1) * (DIL - 1)) // 2
    dw_d = _conv1d(x, w_dw_d, pad, DIL)  # (Bb, MU, N)
    off = jnp.transpose(dw_d, (0, 2, 1))  # (Bb, N, MU); off[b,n,m] = dw_d[b,m,n]
    off_i = off.astype(jnp.int32)
    frac_d = off - off_i.astype(jnp.float32)
    g0d = base[None, :, :] + off_i  # (Bb, N, MU)
    g1d = g0d + jnp.where(frac_d >= 0, 1, -1).astype(jnp.int32)
    g0dB = jnp.broadcast_to(g0d[:, None, None, :, :], (Bb, C_OUT, C_IN, N, MU))
    g1dB = jnp.broadcast_to(g1d[:, None, None, :, :], (Bb, C_OUT, C_IN, N, MU))
    c1d = ((g0dB >= 0) & (g0dB < N)).astype(jnp.float32)
    c2d = ((g1dB >= 0) & (g1dB < N)).astype(jnp.float32)
    afd = jnp.abs(frac_d)[:, None, None, :, :]
    X5 = X5 + c1d * ((1.0 - OLVIDO) * (1.0 - afd) * gather_x(jnp.clip(g0dB, 0, N - 1)))
    X5 = X5 + c2d * ((1.0 - OLVIDO) * afd * gather_x(jnp.clip(g1dB, 0, N - 1)))

    # ---- modulado ----
    mdl = _conv1d(x, w_m, pad, DIL)  # (Bb, MU, N)
    mdl = jax.nn.sigmoid(jnp.transpose(mdl, (0, 2, 1)).reshape(Bb, N * MU)).reshape(Bb, 1, 1, N, MU)
    X5 = X5 * mdl

    # grouped conv (groups=c_out, stride=mu) == per-output-channel contraction
    y = jnp.einsum('bocnm,ocm->bon', X5, w) + b
    return y

if __name__ == "__main__":
    import jax
    _d = setup_inputs()
    print(jax.jit(kernel)(*tuple(_d.values())))

</pallas_src>

<mosaic_0001>
#map = affine_map<(d0, d1) -> (0, 0, 0)>
#map1 = affine_map<(d0, d1) -> (0, 0)>
module attributes {stable_mosaic.version = 14 : i64} {
  func.func @_sc_gather(%arg0: i32, %arg1: i32, %arg2: memref<32x12x128xi32, #tpu.memory_space<hbm>>, %arg3: memref<16400x32xf32, #tpu.memory_space<hbm>>, %arg4: memref<32x1536x32xf32, #tpu.memory_space<hbm>>, %arg5: memref<12x128xi32, #tpu.memory_space<vmem>>, %arg6: memref<1536x32xf32, #tpu.memory_space<vmem>>, %arg7: memref<!tpu.dma_semaphore, #tpu.memory_space<semaphore_mem>>) attributes {dimension_semantics = [#tpu.dimension_semantics<core_parallel>, #tpu.dimension_semantics<subcore_parallel>], iteration_bounds = array<i64: 2, 16>, scalar_prefetch = 0 : i64, scratch_operands = 3 : i64, tpu.core_type = #tpu.core_type<sc_vector_subcore>, window_params = [{transform_indices = #map}, {transform_indices = #map1}, {transform_indices = #map}]} {
    %mul3A = arith.constant 2 : i32
    %mul3A_0 = arith.muli %arg1, %mul3A : i32
    %add3A = arith.addi %mul3A_0, %arg0 : i32
    "tpu.region"() ({
      %run_scoped3A = tpu.sem_alloc : memref<!tpu.dma_semaphore, #tpu.memory_space<semaphore_mem>>
      %dma_start3A_239 = arith.constant 0 : i32
      %dma_start3A_240 = arith.constant 0 : i32
      %dma_start3A_241 = tpu.memref_slice %arg2[%add3A, %dma_start3A_239, %dma_start3A_240] : memref<32x12x128xi32, #tpu.memory_space<hbm>> -> memref<1x12x128xi32, #tpu.memory_space<hbm>>
      %dma_start3A_242 = tpu.memref_squeeze %dma_start3A_241 : memref<1x12x128xi32, #tpu.memory_space<hbm>> -> memref<12x128xi32, #tpu.memory_space<hbm>>
      %dma_start3A_243 = arith.constant 0 : i32
      %dma_start3A_244 = arith.constant 0 : i32
      %dma_start3A_245 = tpu.memref_slice %arg2[%add3A, %dma_start3A_243, %dma_start3A_244] : memref<32x12x128xi32, #tpu.memory_space<hbm>> -> memref<1x12x128xi32, #tpu.memory_space<hbm>>
      %dma_start3A_246 = tpu.memref_squeeze %dma_start3A_245 : memref<1x12x128xi32, #tpu.memory_space<hbm>> -> memref<12x128xi32, #tpu.memory_space<hbm>>
      tpu.enqueue_dma source(%dma_start3A_246 : memref<12x128xi32, #tpu.memory_space<hbm>>) target(%arg5 : memref<12x128xi32, #tpu.memory_space<vmem>>) target_semaphore(%run_scoped3A : memref<!tpu.dma_semaphore, #tpu.memory_space<semaphore_mem>>)
      %dma_wait3A_247 = arith.constant 0 : i32
      %dma_wait3A_248 = arith.constant 0 : i32
      %dma_wait3A_249 = tpu.memref_slice %arg2[%add3A, %dma_wait3A_247, %dma_wait3A_248] : memref<32x12x128xi32, #tpu.memory_space<hbm>> -> memref<1x12x128xi32, #tpu.memory_space<hbm>>
      %dma_wait3A_250 = tpu.memref_squeeze %dma_wait3A_249 : memref<1x12x128xi32, #tpu.memory_space<hbm>> -> memref<12x128xi32, #tpu.memory_space<hbm>>
      %dma_wait3A_251 = arith.constant 0 : i32
      %dma_wait3A_252 = arith.constant 0 : i32
      %dma_wait3A_253 = tpu.memref_slice %arg2[%add3A, %dma_wait3A_251, %dma_wait3A_252] : memref<32x12x128xi32, #tpu.memory_space<hbm>> -> memref<1x12x128xi32, #tpu.memory_space<hbm>>
      %dma_wait3A_254 = tpu.memref_squeeze %dma_wait3A_253 : memref<1x12x128xi32, #tpu.memory_space<hbm>> -> memref<12x128xi32, #tpu.memory_space<hbm>>
      tpu.wait_dma2 semaphore(%run_scoped3A : memref<!tpu.dma_semaphore, #tpu.memory_space<semaphore_mem>>) src(%dma_wait3A_254 : memref<12x128xi32, #tpu.memory_space<hbm>>) dst(%arg5 : memref<12x128xi32, #tpu.memory_space<vmem>>)
      tpu.yield
    }) : () -> ()
    %dma_start3A = arith.constant 0 : i32
    %dma_start3A_1 = arith.constant 0 : i32
    %dma_start3A_2 = arith.constant 0 : i32
    %dma_start3A_3 = tpu.memref_slice %arg6[%dma_start3A_1, %dma_start3A_2] : memref<1536x32xf32, #tpu.memory_space<vmem>> -> memref<128x32xf32, #tpu.memory_space<vmem>>
    %dma_start3A_4 = arith.constant 0 : i32
    %dma_start3A_5 = tpu.memref_slice %arg5[%dma_start3A, %dma_start3A_4] : memref<12x128xi32, #tpu.memory_space<vmem>> -> memref<1x128xi32, #tpu.memory_space<vmem>>
    %dma_start3A_6 = tpu.memref_squeeze %dma_start3A_5 : memref<1x128xi32, #tpu.memory_space<vmem>> -> memref<128xi32, #tpu.memory_space<vmem>>
    %dma_start3A_7 = arith.constant 0 : i32
    %dma_start3A_8 = arith.constant 0 : i32
    %dma_start3A_9 = tpu.memref_slice %arg3[%dma_start3A_7, %dma_start3A_8] : memref<16400x32xf32, #tpu.memory_space<hbm>> -> memref<16400x32xf32, #tpu.memory_space<hbm>>
    tpu.enqueue_indirect_dma source(%dma_start3A_9 : memref<16400x32xf32, #tpu.memory_space<hbm>>) target(%dma_start3A_3 : memref<128x32xf32, #tpu.memory_space<vmem>>) offsets(%dma_start3A_6 : memref<128xi32, #tpu.memory_space<vmem>>) semaphore(%arg7 : memref<!tpu.dma_semaphore, #tpu.memory_space<semaphore_mem>>)
    %dma_start3A_10 = arith.constant 1 : i32
    %dma_start3A_11 = arith.constant 128 : i32
    %dma_start3A_12 = arith.constant 0 : i32
    %dma_start3A_13 = tpu.memref_slice %arg6[%dma_start3A_11, %dma_start3A_12] : memref<1536x32xf32, #tpu.memory_space<vmem>> -> memref<128x32xf32, #tpu.memory_space<vmem>>
    %dma_start3A_14 = arith.constant 0 : i32
    %dma_start3A_15 = tpu.memref_slice %arg5[%dma_start3A_10, %dma_start3A_14] : memref<12x128xi32, #tpu.memory_space<vmem>> -> memref<1x128xi32, #tpu.memory_space<vmem>>
    %dma_start3A_16 = tpu.memref_squeeze %dma_start3A_15 : memref<1x128xi32, #tpu.memory_space<vmem>> -> memref<128xi32, #tpu.memory_space<vmem>>
    %dma_start3A_17 = arith.constant 0 : i32
    %dma_start3A_18 = arith.constant 0 : i32
    %dma_start3A_19 = tpu.memref_slice %arg3[%dma_start3A_17, %dma_start3A_18] : memref<16400x32xf32, #tpu.memory_space<hbm>> -> memref<16400x32xf32, #tpu.memory_space<hbm>>
    tpu.enqueue_indirect_dma source(%dma_start3A_19 : memref<16400x32xf32, #tpu.memory_space<hbm>>) target(%dma_start3A_13 : memref<128x32xf32, #tpu.memory_space<vmem>>) offsets(%dma_start3A_16 : memref<128xi32, #tpu.memory_space<vmem>>) semaphore(%arg7 : memref<!tpu.dma_semaphore, #tpu.memory_space<semaphore_mem>>)
    %dma_start3A_20 = arith.constant 2 : i32
    %dma_start3A_21 = arith.constant 256 : i32
    %dma_start3A_22 = arith.constant 0 : i32
    %dma_start3A_23 = tpu.memref_slice %arg6[%dma_start3A_21, %dma_start3A_22] : memref<1536x32xf32, #tpu.memory_space<vmem>> -> memref<128x32xf32, #tpu.memory_space<vmem>>
    %dma_start3A_24 = arith.constant 0 : i32
    %dma_start3A_25 = tpu.memref_slice %arg5[%dma_start3A_20, %dma_start3A_24] : memref<12x128xi32, #tpu.memory_space<vmem>> -> memref<1x128xi32, #tpu.memory_space<vmem>>
    %dma_start3A_26 = tpu.memref_squeeze %dma_start3A_25 : memref<1x128xi32, #tpu.memory_space<vmem>> -> memref<128xi32, #tpu.memory_space<vmem>>
    %dma_start3A_27 = arith.constant 0 : i32
    %dma_start3A_28 = arith.constant 0 : i32
    %dma_start3A_29 = tpu.memref_slice %arg3[%dma_start3A_27, %dma_start3A_28] : memref<16400x32xf32, #tpu.memory_space<hbm>> -> memref<16400x32xf32, #tpu.memory_space<hbm>>
    tpu.enqueue_indirect_dma source(%dma_start3A_29 : memref<16400x32xf32, #tpu.memory_space<hbm>>) target(%dma_start3A_23 : memref<128x32xf32, #tpu.memory_space<vmem>>) offsets(%dma_start3A_26 : memref<128xi32, #tpu.memory_space<vmem>>) semaphore(%arg7 : memref<!tpu.dma_semaphore, #tpu.memory_space<semaphore_mem>>)
    %dma_start3A_30 = arith.constant 3 : i32
    %dma_start3A_31 = arith.constant 384 : i32
    %dma_start3A_32 = arith.constant 0 : i32
    %dma_start3A_33 = tpu.memref_slice %arg6[%dma_start3A_31, %dma_start3A_32] : memref<1536x32xf32, #tpu.memory_space<vmem>> -> memref<128x32xf32, #tpu.memory_space<vmem>>
    %dma_start3A_34 = arith.constant 0 : i32
    %dma_start3A_35 = tpu.memref_slice %arg5[%dma_start3A_30, %dma_start3A_34] : memref<12x128xi32, #tpu.memory_space<vmem>> -> memref<1x128xi32, #tpu.memory_space<vmem>>
    %dma_start3A_36 = tpu.memref_squeeze %dma_start3A_35 : memref<1x128xi32, #tpu.memory_space<vmem>> -> memref<128xi32, #tpu.memory_space<vmem>>
    %dma_start3A_37 = arith.constant 0 : i32
    %dma_start3A_38 = arith.constant 0 : i32
    %dma_start3A_39 = tpu.memref_slice %arg3[%dma_start3A_37, %dma_start3A_38] : memref<16400x32xf32, #tpu.memory_space<hbm>> -> memref<16400x32xf32, #tpu.memory_space<hbm>>
    tpu.enqueue_indirect_dma source(%dma_start3A_39 : memref<16400x32xf32, #tpu.memory_space<hbm>>) target(%dma_start3A_33 : memref<128x32xf32, #tpu.memory_space<vmem>>) offsets(%dma_start3A_36 : memref<128xi32, #tpu.memory_space<vmem>>) semaphore(%arg7 : memref<!tpu.dma_semaphore, #tpu.memory_space<semaphore_mem>>)
    %dma_start3A_40 = arith.constant 4 : i32
    %dma_start3A_41 = arith.constant 512 : i32
    %dma_start3A_42 = arith.constant 0 : i32
    %dma_start3A_43 = tpu.memref_slice %arg6[%dma_start3A_41, %dma_start3A_42] : memref<1536x32xf32, #tpu.memory_space<vmem>> -> memref<128x32xf32, #tpu.memory_space<vmem>>
    %dma_start3A_44 = arith.constant 0 : i32
    %dma_start3A_45 = tpu.memref_slice %arg5[%dma_start3A_40, %dma_start3A_44] : memref<12x128xi32, #tpu.memory_space<vmem>> -> memref<1x128xi32, #tpu.memory_space<vmem>>
    %dma_start3A_46 = tpu.memref_squeeze %dma_start3A_45 : memref<1x128xi32, #tpu.memory_space<vmem>> -> memref<128xi32, #tpu.memory_space<vmem>>
    %dma_start3A_47 = arith.constant 0 : i32
    %dma_start3A_48 = arith.constant 0 : i32
    %dma_start3A_49 = tpu.memref_slice %arg3[%dma_start3A_47, %dma_start3A_48] : memref<16400x32xf32, #tpu.memory_space<hbm>> -> memref<16400x32xf32, #tpu.memory_space<hbm>>
    tpu.enqueue_indirect_dma source(%dma_start3A_49 : memref<16400x32xf32, #tpu.memory_space<hbm>>) target(%dma_start3A_43 : memref<128x32xf32, #tpu.memory_space<vmem>>) offsets(%dma_start3A_46 : memref<128xi32, #tpu.memory_space<vmem>>) semaphore(%arg7 : memref<!tpu.dma_semaphore, #tpu.memory_space<semaphore_mem>>)
    %dma_start3A_50 = arith.constant 5 : i32
    %dma_start3A_51 = arith.constant 640 : i32
    %dma_start3A_52 = arith.constant 0 : i32
    %dma_start3A_53 = tpu.memref_slice %arg6[%dma_start3A_51, %dma_start3A_52] : memref<1536x32xf32, #tpu.memory_space<vmem>> -> memref<128x32xf32, #tpu.memory_space<vmem>>
    %dma_start3A_54 = arith.constant 0 : i32
    %dma_start3A_55 = tpu.memref_slice %arg5[%dma_start3A_50, %dma_start3A_54] : memref<12x128xi32, #tpu.memory_space<vmem>> -> memref<1x128xi32, #tpu.memory_space<vmem>>
    %dma_start3A_56 = tpu.memref_squeeze %dma_start3A_55 : memref<1x128xi32, #tpu.memory_space<vmem>> -> memref<128xi32, #tpu.memory_space<vmem>>
    %dma_start3A_57 = arith.constant 0 : i32
    %dma_start3A_58 = arith.constant 0 : i32
    %dma_start3A_59 = tpu.memref_slice %arg3[%dma_start3A_57, %dma_start3A_58] : memref<16400x32xf32, #tpu.memory_space<hbm>> -> memref<16400x32xf32, #tpu.memory_space<hbm>>
    tpu.enqueue_indirect_dma source(%dma_start3A_59 : memref<16400x32xf32, #tpu.memory_space<hbm>>) target(%dma_start3A_53 : memref<128x32xf32, #tpu.memory_space<vmem>>) offsets(%dma_start3A_56 : memref<128xi32, #tpu.memory_space<vmem>>) semaphore(%arg7 : memref<!tpu.dma_semaphore, #tpu.memory_space<semaphore_mem>>)
    %dma_start3A_60 = arith.constant 6 : i32
    %dma_start3A_61 = arith.constant 768 : i32
    %dma_start3A_62 = arith.constant 0 : i32
    %dma_start3A_63 = tpu.memref_slice %arg6[%dma_start3A_61, %dma_start3A_62] : memref<1536x32xf32, #tpu.memory_space<vmem>> -> memref<128x32xf32, #tpu.memory_space<vmem>>
    %dma_start3A_64 = arith.constant 0 : i32
    %dma_start3A_65 = tpu.memref_slice %arg5[%dma_start3A_60, %dma_start3A_64] : memref<12x128xi32, #tpu.memory_space<vmem>> -> memref<1x128xi32, #tpu.memory_space<vmem>>
    %dma_start3A_66 = tpu.memref_squeeze %dma_start3A_65 : memref<1x128xi32, #tpu.memory_space<vmem>> -> memref<128xi32, #tpu.memory_space<vmem>>
    %dma_start3A_67 = arith.constant 0 : i32
    %dma_start3A_68 = arith.constant 0 : i32
    %dma_start3A_69 = tpu.memref_slice %arg3[%dma_start3A_67, %dma_start3A_68] : memref<16400x32xf32, #tpu.memory_space<hbm>> -> memref<16400x32xf32, #tpu.memory_space<hbm>>
    tpu.enqueue_indirect_dma source(%dma_start3A_69 : memref<16400x32xf32, #tpu.memory_space<hbm>>) target(%dma_start3A_63 : memref<128x32xf32, #tpu.memory_space<vmem>>) offsets(%dma_start3A_66 : memref<128xi32, #tpu.memory_space<vmem>>) semaphore(%arg7 : memref<!tpu.dma_semaphore, #tpu.memory_space<semaphore_mem>>)
    %dma_start3A_70 = arith.constant 7 : i32
    %dma_start3A_71 = arith.constant 896 : i32
    %dma_start3A_72 = arith.constant 0 : i32
    %dma_start3A_73 = tpu.memref_slice %arg6[%dma_start3A_71, %dma_start3A_72] : memref<1536x32xf32, #tpu.memory_space<vmem>> -> memref<128x32xf32, #tpu.memory_space<vmem>>
    %dma_start3A_74 = arith.constant 0 : i32
    %dma_start3A_75 = tpu.memref_slice %arg5[%dma_start3A_70, %dma_start3A_74] : memref<12x128xi32, #tpu.memory_space<vmem>> -> memref<1x128xi32, #tpu.memory_space<vmem>>
    %dma_start3A_76 = tpu.memref_squeeze %dma_start3A_75 : memref<1x128xi32, #tpu.memory_space<vmem>> -> memref<128xi32, #tpu.memory_space<vmem>>
    %dma_start3A_77 = arith.constant 0 : i32
    %dma_start3A_78 = arith.constant 0 : i32
    %dma_start3A_79 = tpu.memref_slice %arg3[%dma_start3A_77, %dma_start3A_78] : memref<16400x32xf32, #tpu.memory_space<hbm>> -> memref<16400x32xf32, #tpu.memory_space<hbm>>
    tpu.enqueue_indirect_dma source(%dma_start3A_79 : memref<16400x32xf32, #tpu.memory_space<hbm>>) target(%dma_start3A_73 : memref<128x32xf32, #tpu.memory_space<vmem>>) offsets(%dma_start3A_76 : memref<128xi32, #tpu.memory_space<vmem>>) semaphore(%arg7 : memref<!tpu.dma_semaphore, #tpu.memory_space<semaphore_mem>>)
    %dma_start3A_80 = arith.constant 8 : i32
    %dma_start3A_81 = arith.constant 1024 : i32
    %dma_start3A_82 = arith.constant 0 : i32
    %dma_start3A_83 = tpu.memref_slice %arg6[%dma_start3A_81, %dma_start3A_82] : memref<1536x32xf32, #tpu.memory_space<vmem>> -> memref<128x32xf32, #tpu.memory_space<vmem>>
    %dma_start3A_84 = arith.constant 0 : i32
    %dma_start3A_85 = tpu.memref_slice %arg5[%dma_start3A_80, %dma_start3A_84] : memref<12x128xi32, #tpu.memory_space<vmem>> -> memref<1x128xi32, #tpu.memory_space<vmem>>
    %dma_start3A_86 = tpu.memref_squeeze %dma_start3A_85 : memref<1x128xi32, #tpu.memory_space<vmem>> -> memref<128xi32, #tpu.memory_space<vmem>>
    %dma_start3A_87 = arith.constant 0 : i32
    %dma_start3A_88 = arith.constant 0 : i32
    %dma_start3A_89 = tpu.memref_slice %arg3[%dma_start3A_87, %dma_start3A_88] : memref<16400x32xf32, #tpu.memory_space<hbm>> -> memref<16400x32xf32, #tpu.memory_space<hbm>>
    tpu.enqueue_indirect_dma source(%dma_start3A_89 : memref<16400x32xf32, #tpu.memory_space<hbm>>) target(%dma_start3A_83 : memref<128x32xf32, #tpu.memory_space<vmem>>) offsets(%dma_start3A_86 : memref<128xi32, #tpu.memory_space<vmem>>) semaphore(%arg7 : memref<!tpu.dma_semaphore, #tpu.memory_space<semaphore_mem>>)
    %dma_start3A_90 = arith.constant 9 : i32
    %dma_start3A_91 = arith.constant 1152 : i32
    %dma_start3A_92 = arith.constant 0 : i32
    %dma_start3A_93 = tpu.memref_slice %arg6[%dma_start3A_91, %dma_start3A_92] : memref<1536x32xf32, #tpu.memory_space<vmem>> -> memref<128x32xf32, #tpu.memory_space<vmem>>
    %dma_start3A_94 = arith.constant 0 : i32
    %dma_start3A_95 = tpu.memref_slice %arg5[%dma_start3A_90, %dma_start3A_94] : memref<12x128xi32, #tpu.memory_space<vmem>> -> memref<1x128xi32, #tpu.memory_space<vmem>>
    %dma_start3A_96 = tpu.memref_squeeze %dma_start3A_95 : memref<1x128xi32, #tpu.memory_space<vmem>> -> memref<128xi32, #tpu.memory_space<vmem>>
    %dma_start3A_97 = arith.constant 0 : i32
    %dma_start3A_98 = arith.constant 0 : i32
    %dma_start3A_99 = tpu.memref_slice %arg3[%dma_start3A_97, %dma_start3A_98] : memref<16400x32xf32, #tpu.memory_space<hbm>> -> memref<16400x32xf32, #tpu.memory_space<hbm>>
    tpu.enqueue_indirect_dma source(%dma_start3A_99 : memref<16400x32xf32, #tpu.memory_space<hbm>>) target(%dma_start3A_93 : memref<128x32xf32, #tpu.memory_space<vmem>>) offsets(%dma_start3A_96 : memref<128xi32, #tpu.memory_space<vmem>>) semaphore(%arg7 : memref<!tpu.dma_semaphore, #tpu.memory_space<semaphore_mem>>)
    %dma_start3A_100 = arith.constant 10 : i32
    %dma_start3A_101 = arith.constant 1280 : i32
    %dma_start3A_102 = arith.constant 0 : i32
    %dma_start3A_103 = tpu.memref_slice %arg6[%dma_start3A_101, %dma_start3A_102] : memref<1536x32xf32, #tpu.memory_space<vmem>> -> memref<128x32xf32, #tpu.memory_space<vmem>>
    %dma_start3A_104 = arith.constant 0 : i32
    %dma_start3A_105 = tpu.memref_slice %arg5[%dma_start3A_100, %dma_start3A_104] : memref<12x128xi32, #tpu.memory_space<vmem>> -> memref<1x128xi32, #tpu.memory_space<vmem>>
    %dma_start3A_106 = tpu.memref_squeeze %dma_start3A_105 : memref<1x128xi32, #tpu.memory_space<vmem>> -> memref<128xi32, #tpu.memory_space<vmem>>
    %dma_start3A_107 = arith.constant 0 : i32
    %dma_start3A_108 = arith.constant 0 : i32
    %dma_start3A_109 = tpu.memref_slice %arg3[%dma_start3A_107, %dma_start3A_108] : memref<16400x32xf32, #tpu.memory_space<hbm>> -> memref<16400x32xf32, #tpu.memory_space<hbm>>
    tpu.enqueue_indirect_dma source(%dma_start3A_109 : memref<16400x32xf32, #tpu.memory_space<hbm>>) target(%dma_start3A_103 : memref<128x32xf32, #tpu.memory_space<vmem>>) offsets(%dma_start3A_106 : memref<128xi32, #tpu.memory_space<vmem>>) semaphore(%arg7 : memref<!tpu.dma_semaphore, #tpu.memory_space<semaphore_mem>>)
    %dma_start3A_110 = arith.constant 11 : i32
    %dma_start3A_111 = arith.constant 1408 : i32
    %dma_start3A_112 = arith.constant 0 : i32
    %dma_start3A_113 = tpu.memref_slice %arg6[%dma_start3A_111, %dma_start3A_112] : memref<1536x32xf32, #tpu.memory_space<vmem>> -> memref<128x32xf32, #tpu.memory_space<vmem>>
    %dma_start3A_114 = arith.constant 0 : i32
    %dma_start3A_115 = tpu.memref_slice %arg5[%dma_start3A_110, %dma_start3A_114] : memref<12x128xi32, #tpu.memory_space<vmem>> -> memref<1x128xi32, #tpu.memory_space<vmem>>
    %dma_start3A_116 = tpu.memref_squeeze %dma_start3A_115 : memref<1x128xi32, #tpu.memory_space<vmem>> -> memref<128xi32, #tpu.memory_space<vmem>>
    %dma_start3A_117 = arith.constant 0 : i32
    %dma_start3A_118 = arith.constant 0 : i32
    %dma_start3A_119 = tpu.memref_slice %arg3[%dma_start3A_117, %dma_start3A_118] : memref<16400x32xf32, #tpu.memory_space<hbm>> -> memref<16400x32xf32, #tpu.memory_space<hbm>>
    tpu.enqueue_indirect_dma source(%dma_start3A_119 : memref<16400x32xf32, #tpu.memory_space<hbm>>) target(%dma_start3A_113 : memref<128x32xf32, #tpu.memory_space<vmem>>) offsets(%dma_start3A_116 : memref<128xi32, #tpu.memory_space<vmem>>) semaphore(%arg7 : memref<!tpu.dma_semaphore, #tpu.memory_space<semaphore_mem>>)
    %dma_wait3A = arith.constant 0 : i32
    %dma_wait3A_120 = arith.constant 0 : i32
    %dma_wait3A_121 = arith.constant 0 : i32
    %dma_wait3A_122 = tpu.memref_slice %arg6[%dma_wait3A_120, %dma_wait3A_121] : memref<1536x32xf32, #tpu.memory_space<vmem>> -> memref<128x32xf32, #tpu.memory_space<vmem>>
    %dma_wait3A_123 = arith.constant 0 : i32
    %dma_wait3A_124 = tpu.memref_slice %arg5[%dma_wait3A, %dma_wait3A_123] : memref<12x128xi32, #tpu.memory_space<vmem>> -> memref<1x128xi32, #tpu.memory_space<vmem>>
    %dma_wait3A_125 = tpu.memref_squeeze %dma_wait3A_124 : memref<1x128xi32, #tpu.memory_space<vmem>> -> memref<128xi32, #tpu.memory_space<vmem>>
    %dma_wait3A_126 = arith.constant 0 : i32
    %dma_wait3A_127 = arith.constant 0 : i32
    %dma_wait3A_128 = tpu.memref_slice %arg3[%dma_wait3A_126, %dma_wait3A_127] : memref<16400x32xf32, #tpu.memory_space<hbm>> -> memref<16400x32xf32, #tpu.memory_space<hbm>>
    tpu.wait_indirect_dma semaphore(%arg7 : memref<!tpu.dma_semaphore, #tpu.memory_space<semaphore_mem>>) src(%dma_wait3A_128 : memref<16400x32xf32, #tpu.memory_space<hbm>>) dst(%dma_wait3A_122 : memref<128x32xf32, #tpu.memory_space<vmem>>)
    %dma_wait3A_129 = arith.constant 1 : i32
    %dma_wait3A_130 = arith.constant 128 : i32
    %dma_wait3A_131 = arith.constant 0 : i32
    %dma_wait3A_132 = tpu.memref_slice %arg6[%dma_wait3A_130, %dma_wait3A_131] : memref<1536x32xf32, #tpu.memory_space<vmem>> -> memref<128x32xf32, #tpu.memory_space<vmem>>
    %dma_wait3A_133 = arith.constant 0 : i32
    %dma_wait3A_134 = tpu.memref_slice %arg5[%dma_wait3A_129, %dma_wait3A_133] : memref<12x128xi32, #tpu.memory_space<vmem>> -> memref<1x128xi32, #tpu.memory_space<vmem>>
    %dma_wait3A_135 = tpu.memref_squeeze %dma_wait3A_134 : memref<1x128xi32, #tpu.memory_space<vmem>> -> memref<128xi32, #tpu.memory_space<vmem>>
    %dma_wait3A_136 = arith.constant 0 : i32
    %dma_wait3A_137 = arith.constant 0 : i32
    %dma_wait3A_138 = tpu.memref_slice %arg3[%dma_wait3A_136, %dma_wait3A_137] : memref<16400x32xf32, #tpu.memory_space<hbm>> -> memref<16400x32xf32, #tpu.memory_space<hbm>>
    tpu.wait_indirect_dma semaphore(%arg7 : memref<!tpu.dma_semaphore, #tpu.memory_space<semaphore_mem>>) src(%dma_wait3A_138 : memref<16400x32xf32, #tpu.memory_space<hbm>>) dst(%dma_wait3A_132 : memref<128x32xf32, #tpu.memory_space<vmem>>)
    %dma_wait3A_139 = arith.constant 2 : i32
    %dma_wait3A_140 = arith.constant 256 : i32
    %dma_wait3A_141 = arith.constant 0 : i32
    %dma_wait3A_142 = tpu.memref_slice %arg6[%dma_wait3A_140, %dma_wait3A_141] : memref<1536x32xf32, #tpu.memory_space<vmem>> -> memref<128x32xf32, #tpu.memory_space<vmem>>
    %dma_wait3A_143 = arith.constant 0 : i32
    %dma_wait3A_144 = tpu.memref_slice %arg5[%dma_wait3A_139, %dma_wait3A_143] : memref<12x128xi32, #tpu.memory_space<vmem>> -> memref<1x128xi32, #tpu.memory_space<vmem>>
    %dma_wait3A_145 = tpu.memref_squeeze %dma_wait3A_144 : memref<1x128xi32, #tpu.memory_space<vmem>> -> memref<128xi32, #tpu.memory_space<vmem>>
    %dma_wait3A_146 = arith.constant 0 : i32
    %dma_wait3A_147 = arith.constant 0 : i32
    %dma_wait3A_148 = tpu.memref_slice %arg3[%dma_wait3A_146, %dma_wait3A_147] : memref<16400x32xf32, #tpu.memory_space<hbm>> -> memref<16400x32xf32, #tpu.memory_space<hbm>>
    tpu.wait_indirect_dma semaphore(%arg7 : memref<!tpu.dma_semaphore, #tpu.memory_space<semaphore_mem>>) src(%dma_wait3A_148 : memref<16400x32xf32, #tpu.memory_space<hbm>>) dst(%dma_wait3A_142 : memref<128x32xf32, #tpu.memory_space<vmem>>)
    %dma_wait3A_149 = arith.constant 3 : i32
    %dma_wait3A_150 = arith.constant 384 : i32
    %dma_wait3A_151 = arith.constant 0 : i32
    %dma_wait3A_152 = tpu.memref_slice %arg6[%dma_wait3A_150, %dma_wait3A_151] : memref<1536x32xf32, #tpu.memory_space<vmem>> -> memref<128x32xf32, #tpu.memory_space<vmem>>
    %dma_wait3A_153 = arith.constant 0 : i32
    %dma_wait3A_154 = tpu.memref_slice %arg5[%dma_wait3A_149, %dma_wait3A_153] : memref<12x128xi32, #tpu.memory_space<vmem>> -> memref<1x128xi32, #tpu.memory_space<vmem>>
    %dma_wait3A_155 = tpu.memref_squeeze %dma_wait3A_154 : memref<1x128xi32, #tpu.memory_space<vmem>> -> memref<128xi32, #tpu.memory_space<vmem>>
    %dma_wait3A_156 = arith.constant 0 : i32
    %dma_wait3A_157 = arith.constant 0 : i32
    %dma_wait3A_158 = tpu.memref_slice %arg3[%dma_wait3A_156, %dma_wait3A_157] : memref<16400x32xf32, #tpu.memory_space<hbm>> -> memref<16400x32xf32, #tpu.memory_space<hbm>>
    tpu.wait_indirect_dma semaphore(%arg7 : memref<!tpu.dma_semaphore, #tpu.memory_space<semaphore_mem>>) src(%dma_wait3A_158 : memref<16400x32xf32, #tpu.memory_space<hbm>>) dst(%dma_wait3A_152 : memref<128x32xf32, #tpu.memory_space<vmem>>)
    %dma_wait3A_159 = arith.constant 4 : i32
    %dma_wait3A_160 = arith.constant 512 : i32
    %dma_wait3A_161 = arith.constant 0 : i32
    %dma_wait3A_162 = tpu.memref_slice %arg6[%dma_wait3A_160, %dma_wait3A_161] : memref<1536x32xf32, #tpu.memory_space<vmem>> -> memref<128x32xf32, #tpu.memory_space<vmem>>
    %dma_wait3A_163 = arith.constant 0 : i32
    %dma_wait3A_164 = tpu.memref_slice %arg5[%dma_wait3A_159, %dma_wait3A_163] : memref<12x128xi32, #tpu.memory_space<vmem>> -> memref<1x128xi32, #tpu.memory_space<vmem>>
    %dma_wait3A_165 = tpu.memref_squeeze %dma_wait3A_164 : memref<1x128xi32, #tpu.memory_space<vmem>> -> memref<128xi32, #tpu.memory_space<vmem>>
    %dma_wait3A_166 = arith.constant 0 : i32
    %dma_wait3A_167 = arith.constant 0 : i32
    %dma_wait3A_168 = tpu.memref_slice %arg3[%dma_wait3A_166, %dma_wait3A_167] : memref<16400x32xf32, #tpu.memory_space<hbm>> -> memref<16400x32xf32, #tpu.memory_space<hbm>>
    tpu.wait_indirect_dma semaphore(%arg7 : memref<!tpu.dma_semaphore, #tpu.memory_space<semaphore_mem>>) src(%dma_wait3A_168 : memref<16400x32xf32, #tpu.memory_space<hbm>>) dst(%dma_wait3A_162 : memref<128x32xf32, #tpu.memory_space<vmem>>)
    %dma_wait3A_169 = arith.constant 5 : i32
    %dma_wait3A_170 = arith.constant 640 : i32
    %dma_wait3A_171 = arith.constant 0 : i32
    %dma_wait3A_172 = tpu.memref_slice %arg6[%dma_wait3A_170, %dma_wait3A_171] : memref<1536x32xf32, #tpu.memory_space<vmem>> -> memref<128x32xf32, #tpu.memory_space<vmem>>
    %dma_wait3A_173 = arith.constant 0 : i32
    %dma_wait3A_174 = tpu.memref_slice %arg5[%dma_wait3A_169, %dma_wait3A_173] : memref<12x128xi32, #tpu.memory_space<vmem>> -> memref<1x128xi32, #tpu.memory_space<vmem>>
    %dma_wait3A_175 = tpu.memref_squeeze %dma_wait3A_174 : memref<1x128xi32, #tpu.memory_space<vmem>> -> memref<128xi32, #tpu.memory_space<vmem>>
    %dma_wait3A_176 = arith.constant 0 : i32
    %dma_wait3A_177 = arith.constant 0 : i32
    %dma_wait3A_178 = tpu.memref_slice %arg3[%dma_wait3A_176, %dma_wait3A_177] : memref<16400x32xf32, #tpu.memory_space<hbm>> -> memref<16400x32xf32, #tpu.memory_space<hbm>>
    tpu.wait_indirect_dma semaphore(%arg7 : memref<!tpu.dma_semaphore, #tpu.memory_space<semaphore_mem>>) src(%dma_wait3A_178 : memref<16400x32xf32, #tpu.memory_space<hbm>>) dst(%dma_wait3A_172 : memref<128x32xf32, #tpu.memory_space<vmem>>)
    %dma_wait3A_179 = arith.constant 6 : i32
    %dma_wait3A_180 = arith.constant 768 : i32
    %dma_wait3A_181 = arith.constant 0 : i32
    %dma_wait3A_182 = tpu.memref_slice %arg6[%dma_wait3A_180, %dma_wait3A_181] : memref<1536x32xf32, #tpu.memory_space<vmem>> -> memref<128x32xf32, #tpu.memory_space<vmem>>
    %dma_wait3A_183 = arith.constant 0 : i32
    %dma_wait3A_184 = tpu.memref_slice %arg5[%dma_wait3A_179, %dma_wait3A_183] : memref<12x128xi32, #tpu.memory_space<vmem>> -> memref<1x128xi32, #tpu.memory_space<vmem>>
    %dma_wait3A_185 = tpu.memref_squeeze %dma_wait3A_184 : memref<1x128xi32, #tpu.memory_space<vmem>> -> memref<128xi32, #tpu.memory_space<vmem>>
    %dma_wait3A_186 = arith.constant 0 : i32
    %dma_wait3A_187 = arith.constant 0 : i32
    %dma_wait3A_188 = tpu.memref_slice %arg3[%dma_wait3A_186, %dma_wait3A_187] : memref<16400x32xf32, #tpu.memory_space<hbm>> -> memref<16400x32xf32, #tpu.memory_space<hbm>>
    tpu.wait_indirect_dma semaphore(%arg7 : memref<!tpu.dma_semaphore, #tpu.memory_space<semaphore_mem>>) src(%dma_wait3A_188 : memref<16400x32xf32, #tpu.memory_space<hbm>>) dst(%dma_wait3A_182 : memref<128x32xf32, #tpu.memory_space<vmem>>)
    %dma_wait3A_189 = arith.constant 7 : i32
    %dma_wait3A_190 = arith.constant 896 : i32
    %dma_wait3A_191 = arith.constant 0 : i32
    %dma_wait3A_192 = tpu.memref_slice %arg6[%dma_wait3A_190, %dma_wait3A_191] : memref<1536x32xf32, #tpu.memory_space<vmem>> -> memref<128x32xf32, #tpu.memory_space<vmem>>
    %dma_wait3A_193 = arith.constant 0 : i32
    %dma_wait3A_194 = tpu.memref_slice %arg5[%dma_wait3A_189, %dma_wait3A_193] : memref<12x128xi32, #tpu.memory_space<vmem>> -> memref<1x128xi32, #tpu.memory_space<vmem>>
    %dma_wait3A_195 = tpu.memref_squeeze %dma_wait3A_194 : memref<1x128xi32, #tpu.memory_space<vmem>> -> memref<128xi32, #tpu.memory_space<vmem>>
    %dma_wait3A_196 = arith.constant 0 : i32
    %dma_wait3A_197 = arith.constant 0 : i32
    %dma_wait3A_198 = tpu.memref_slice %arg3[%dma_wait3A_196, %dma_wait3A_197] : memref<16400x32xf32, #tpu.memory_space<hbm>> -> memref<16400x32xf32, #tpu.memory_space<hbm>>
    tpu.wait_indirect_dma semaphore(%arg7 : memref<!tpu.dma_semaphore, #tpu.memory_space<semaphore_mem>>) src(%dma_wait3A_198 : memref<16400x32xf32, #tpu.memory_space<hbm>>) dst(%dma_wait3A_192 : memref<128x32xf32, #tpu.memory_space<vmem>>)
    %dma_wait3A_199 = arith.constant 8 : i32
    %dma_wait3A_200 = arith.constant 1024 : i32
    %dma_wait3A_201 = arith.constant 0 : i32
    %dma_wait3A_202 = tpu.memref_slice %arg6[%dma_wait3A_200, %dma_wait3A_201] : memref<1536x32xf32, #tpu.memory_space<vmem>> -> memref<128x32xf32, #tpu.memory_space<vmem>>
    %dma_wait3A_203 = arith.constant 0 : i32
    %dma_wait3A_204 = tpu.memref_slice %arg5[%dma_wait3A_199, %dma_wait3A_203] : memref<12x128xi32, #tpu.memory_space<vmem>> -> memref<1x128xi32, #tpu.memory_space<vmem>>
    %dma_wait3A_205 = tpu.memref_squeeze %dma_wait3A_204 : memref<1x128xi32, #tpu.memory_space<vmem>> -> memref<128xi32, #tpu.memory_space<vmem>>
    %dma_wait3A_206 = arith.constant 0 : i32
    %dma_wait3A_207 = arith.constant 0 : i32
    %dma_wait3A_208 = tpu.memref_slice %arg3[%dma_wait3A_206, %dma_wait3A_207] : memref<16400x32xf32, #tpu.memory_space<hbm>> -> memref<16400x32xf32, #tpu.memory_space<hbm>>
    tpu.wait_indirect_dma semaphore(%arg7 : memref<!tpu.dma_semaphore, #tpu.memory_space<semaphore_mem>>) src(%dma_wait3A_208 : memref<16400x32xf32, #tpu.memory_space<hbm>>) dst(%dma_wait3A_202 : memref<128x32xf32, #tpu.memory_space<vmem>>)
    %dma_wait3A_209 = arith.constant 9 : i32
    %dma_wait3A_210 = arith.constant 1152 : i32
    %dma_wait3A_211 = arith.constant 0 : i32
    %dma_wait3A_212 = tpu.memref_slice %arg6[%dma_wait3A_210, %dma_wait3A_211] : memref<1536x32xf32, #tpu.memory_space<vmem>> -> memref<128x32xf32, #tpu.memory_space<vmem>>
    %dma_wait3A_213 = arith.constant 0 : i32
    %dma_wait3A_214 = tpu.memref_slice %arg5[%dma_wait3A_209, %dma_wait3A_213] : memref<12x128xi32, #tpu.memory_space<vmem>> -> memref<1x128xi32, #tpu.memory_space<vmem>>
    %dma_wait3A_215 = tpu.memref_squeeze %dma_wait3A_214 : memref<1x128xi32, #tpu.memory_space<vmem>> -> memref<128xi32, #tpu.memory_space<vmem>>
    %dma_wait3A_216 = arith.constant 0 : i32
    %dma_wait3A_217 = arith.constant 0 : i32
    %dma_wait3A_218 = tpu.memref_slice %arg3[%dma_wait3A_216, %dma_wait3A_217] : memref<16400x32xf32, #tpu.memory_space<hbm>> -> memref<16400x32xf32, #tpu.memory_space<hbm>>
    tpu.wait_indirect_dma semaphore(%arg7 : memref<!tpu.dma_semaphore, #tpu.memory_space<semaphore_mem>>) src(%dma_wait3A_218 : memref<16400x32xf32, #tpu.memory_space<hbm>>) dst(%dma_wait3A_212 : memref<128x32xf32, #tpu.memory_space<vmem>>)
    %dma_wait3A_219 = arith.constant 10 : i32
    %dma_wait3A_220 = arith.constant 1280 : i32
    %dma_wait3A_221 = arith.constant 0 : i32
    %dma_wait3A_222 = tpu.memref_slice %arg6[%dma_wait3A_220, %dma_wait3A_221] : memref<1536x32xf32, #tpu.memory_space<vmem>> -> memref<128x32xf32, #tpu.memory_space<vmem>>
    %dma_wait3A_223 = arith.constant 0 : i32
    %dma_wait3A_224 = tpu.memref_slice %arg5[%dma_wait3A_219, %dma_wait3A_223] : memref<12x128xi32, #tpu.memory_space<vmem>> -> memref<1x128xi32, #tpu.memory_space<vmem>>
    %dma_wait3A_225 = tpu.memref_squeeze %dma_wait3A_224 : memref<1x128xi32, #tpu.memory_space<vmem>> -> memref<128xi32, #tpu.memory_space<vmem>>
    %dma_wait3A_226 = arith.constant 0 : i32
    %dma_wait3A_227 = arith.constant 0 : i32
    %dma_wait3A_228 = tpu.memref_slice %arg3[%dma_wait3A_226, %dma_wait3A_227] : memref<16400x32xf32, #tpu.memory_space<hbm>> -> memref<16400x32xf32, #tpu.memory_space<hbm>>
    tpu.wait_indirect_dma semaphore(%arg7 : memref<!tpu.dma_semaphore, #tpu.memory_space<semaphore_mem>>) src(%dma_wait3A_228 : memref<16400x32xf32, #tpu.memory_space<hbm>>) dst(%dma_wait3A_222 : memref<128x32xf32, #tpu.memory_space<vmem>>)
    %dma_wait3A_229 = arith.constant 11 : i32
    %dma_wait3A_230 = arith.constant 1408 : i32
    %dma_wait3A_231 = arith.constant 0 : i32
    %dma_wait3A_232 = tpu.memref_slice %arg6[%dma_wait3A_230, %dma_wait3A_231] : memref<1536x32xf32, #tpu.memory_space<vmem>> -> memref<128x32xf32, #tpu.memory_space<vmem>>
    %dma_wait3A_233 = arith.constant 0 : i32
    %dma_wait3A_234 = tpu.memref_slice %arg5[%dma_wait3A_229, %dma_wait3A_233] : memref<12x128xi32, #tpu.memory_space<vmem>> -> memref<1x128xi32, #tpu.memory_space<vmem>>
    %dma_wait3A_235 = tpu.memref_squeeze %dma_wait3A_234 : memref<1x128xi32, #tpu.memory_space<vmem>> -> memref<128xi32, #tpu.memory_space<vmem>>
    %dma_wait3A_236 = arith.constant 0 : i32
    %dma_wait3A_237 = arith.constant 0 : i32
    %dma_wait3A_238 = tpu.memref_slice %arg3[%dma_wait3A_236, %dma_wait3A_237] : memref<16400x32xf32, #tpu.memory_space<hbm>> -> memref<16400x32xf32, #tpu.memory_space<hbm>>
    tpu.wait_indirect_dma semaphore(%arg7 : memref<!tpu.dma_semaphore, #tpu.memory_space<semaphore_mem>>) src(%dma_wait3A_238 : memref<16400x32xf32, #tpu.memory_space<hbm>>) dst(%dma_wait3A_232 : memref<128x32xf32, #tpu.memory_space<vmem>>)
    "tpu.region"() ({
      %run_scoped3A = tpu.sem_alloc : memref<!tpu.dma_semaphore, #tpu.memory_space<semaphore_mem>>
      %dma_start3A_239 = arith.constant 0 : i32
      %dma_start3A_240 = arith.constant 0 : i32
      %dma_start3A_241 = tpu.memref_slice %arg4[%add3A, %dma_start3A_239, %dma_start3A_240] : memref<32x1536x32xf32, #tpu.memory_space<hbm>> -> memref<1x1536x32xf32, #tpu.memory_space<hbm>>
      %dma_start3A_242 = tpu.memref_squeeze %dma_start3A_241 : memref<1x1536x32xf32, #tpu.memory_space<hbm>> -> memref<1536x32xf32, #tpu.memory_space<hbm>>
      %dma_start3A_243 = arith.constant 0 : i32
      %dma_start3A_244 = arith.constant 0 : i32
      %dma_start3A_245 = tpu.memref_slice %arg4[%add3A, %dma_start3A_243, %dma_start3A_244] : memref<32x1536x32xf32, #tpu.memory_space<hbm>> -> memref<1x1536x32xf32, #tpu.memory_space<hbm>>
      %dma_start3A_246 = tpu.memref_squeeze %dma_start3A_245 : memref<1x1536x32xf32, #tpu.memory_space<hbm>> -> memref<1536x32xf32, #tpu.memory_space<hbm>>
      tpu.enqueue_dma source(%arg6 : memref<1536x32xf32, #tpu.memory_space<vmem>>) target(%dma_start3A_246 : memref<1536x32xf32, #tpu.memory_space<hbm>>) target_semaphore(%run_scoped3A : memref<!tpu.dma_semaphore, #tpu.memory_space<semaphore_mem>>)
      %dma_wait3A_247 = arith.constant 0 : i32
      %dma_wait3A_248 = arith.constant 0 : i32
      %dma_wait3A_249 = tpu.memref_slice %arg4[%add3A, %dma_wait3A_247, %dma_wait3A_248] : memref<32x1536x32xf32, #tpu.memory_space<hbm>> -> memref<1x1536x32xf32, #tpu.memory_space<hbm>>
      %dma_wait3A_250 = tpu.memref_squeeze %dma_wait3A_249 : memref<1x1536x32xf32, #tpu.memory_space<hbm>> -> memref<1536x32xf32, #tpu.memory_space<hbm>>
      %dma_wait3A_251 = arith.constant 0 : i32
      %dma_wait3A_252 = arith.constant 0 : i32
      %dma_wait3A_253 = tpu.memref_slice %arg4[%add3A, %dma_wait3A_251, %dma_wait3A_252] : memref<32x1536x32xf32, #tpu.memory_space<hbm>> -> memref<1x1536x32xf32, #tpu.memory_space<hbm>>
      %dma_wait3A_254 = tpu.memref_squeeze %dma_wait3A_253 : memref<1x1536x32xf32, #tpu.memory_space<hbm>> -> memref<1536x32xf32, #tpu.memory_space<hbm>>
      tpu.wait_dma2 semaphore(%run_scoped3A : memref<!tpu.dma_semaphore, #tpu.memory_space<semaphore_mem>>) src(%arg6 : memref<1536x32xf32, #tpu.memory_space<vmem>>) dst(%dma_wait3A_254 : memref<1536x32xf32, #tpu.memory_space<hbm>>)
      tpu.yield
    }) : () -> ()
    return
  }
}

module attributes {stable_mosaic.version = 14 : i64} {
  func.func @_prep_body(%arg0: i32, %arg1: memref<1x16x4096xf32, #tpu.memory_space<vmem>>, %arg2: memref<3x16x3xf32, #tpu.memory_space<vmem>>, %arg3: memref<3x16x3xf32, #tpu.memory_space<vmem>>, %arg4: memref<1x4096x3xi32, #tpu.memory_space<vmem>>, %arg5: memref<1x4096x9xf32, #tpu.memory_space<vmem>>, %arg6: memref<1x4100x32xf32, #tpu.memory_space<vmem>>) attributes {dimension_semantics = [#tpu.dimension_semantics<arbitrary>], iteration_bounds = array<i64: 4>, scalar_prefetch = 0 : i64, scratch_operands = 0 : i64, tpu.core_type = #tpu.core_type<tc>, window_params = [{transform_indices = @transform_0, window_bounds = array<i64: 1, 16, 4096>}, {pipeline_mode = #tpu.pipeline_mode<synchronous>, transform_indices = @transform_1, window_bounds = array<i64: 3, 16, 3>}, {pipeline_mode = #tpu.pipeline_mode<synchronous>, transform_indices = @transform_2, window_bounds = array<i64: 3, 16, 3>}, {transform_indices = @transform_3, window_bounds = array<i64: 1, 4096, 3>}, {transform_indices = @transform_4, window_bounds = array<i64: 1, 4096, 9>}, {transform_indices = @transform_5, window_bounds = array<i64: 1, 4100, 32>}]} {
    %get3A = arith.constant 0 : index
    %get3A_0 = arith.constant 0 : index
    %get3A_1 = arith.constant 0 : index
    %get3A_2 = vector.load %arg1[%get3A, %get3A_0, %get3A_1] : memref<1x16x4096xf32, #tpu.memory_space<vmem>>, vector<1x16x4096xf32>
    %get3A_3 = vector.shape_cast %get3A_2 : vector<1x16x4096xf32> to vector<16x4096xf32>
    %iota3A = tpu.iota {dimensions = array<i32: 1>} : vector<16x4096xi32>
    %ge3A = arith.constant 1 : i32
    %ge3A_4 = vector.broadcast %ge3A : i32 to vector<16x4096xi32>
    %ge3A_5 = arith.cmpi sge, %iota3A, %ge3A_4 : vector<16x4096xi32>
    %roll3A = arith.constant 1 : i32
    %roll3A_6 = tpu.dynamic_rotate %get3A_3 by %roll3A dim 1 : vector<16x4096xf32>, i32 -> vector<16x4096xf32>
    %jit3A = arith.constant 0.000000e+00 : f32
    %broadcast_in_dim3A = vector.broadcast %jit3A : f32 to vector<16x4096xf32>
    %select_n3A = arith.select %ge3A_5, %roll3A_6, %broadcast_in_dim3A : vector<16x4096xi1>, vector<16x4096xf32>
    %le3A = arith.constant 4094 : i32
    %le3A_7 = vector.broadcast %le3A : i32 to vector<16x4096xi32>
    %le3A_8 = arith.cmpi sle, %iota3A, %le3A_7 : vector<16x4096xi32>
    %roll3A_9 = arith.constant 4095 : i32
    %roll3A_10 = tpu.dynamic_rotate %get3A_3 by %roll3A_9 dim 1 : vector<16x4096xf32>, i32 -> vector<16x4096xf32>
    %jit3A_11 = arith.constant 0.000000e+00 : f32
    %broadcast_in_dim3A_12 = vector.broadcast %jit3A_11 : f32 to vector<16x4096xf32>
    %select_n3A_13 = arith.select %le3A_8, %roll3A_10, %broadcast_in_dim3A_12 : vector<16x4096xi1>, vector<16x4096xf32>
    %broadcast_in_dim3A_14 = arith.constant 0.000000e+00 : f32
    %broadcast_in_dim3A_15 = vector.broadcast %broadcast_in_dim3A_14 : f32 to vector<3x4096xf32>
    %broadcast_in_dim3A_16 = arith.constant 0.000000e+00 : f32
    %broadcast_in_dim3A_17 = vector.broadcast %broadcast_in_dim3A_16 : f32 to vector<3x4096xf32>
    %get3A_18 = arith.constant 0 : index
    %get3A_19 = arith.constant 0 : index
    %get3A_20 = arith.constant 0 : index
    %get3A_21 = vector.load %arg2[%get3A_18, %get3A_19, %get3A_20] : memref<3x16x3xf32, #tpu.memory_space<vmem>>, vector<3x16x1xf32>
    %get3A_22 = vector.shape_cast %get3A_21 : vector<3x16x1xf32> to vector<3x16xf32>
    %dot_general3A = arith.constant dense<0.000000e+00> : vector<3x4096xf32>
    %dot_general3A_23 = tpu.matmul %get3A_22, %select_n3A, %dot_general3A {dimension_numbers = #tpu.dot_dimension_numbers<[1], [0], [0], [1], [0, 0, 1, 1], [], []>, transpose_lhs_hint = false} : vector<3x16xf32>, vector<16x4096xf32>, vector<3x4096xf32> -> vector<3x4096xf32>
    %add3A = arith.addf %broadcast_in_dim3A_15, %dot_general3A_23 : vector<3x4096xf32>
    %get3A_24 = arith.constant 0 : index
    %get3A_25 = arith.constant 0 : index
    %get3A_26 = arith.constant 0 : index
    %get3A_27 = vector.load %arg3[%get3A_24, %get3A_25, %get3A_26] : memref<3x16x3xf32, #tpu.memory_space<vmem>>, vector<3x16x1xf32>
    %get3A_28 = vector.shape_cast %get3A_27 : vector<3x16x1xf32> to vector<3x16xf32>
    %dot_general3A_29 = arith.constant dense<0.000000e+00> : vector<3x4096xf32>
    %dot_general3A_30 = tpu.matmul %get3A_28, %select_n3A, %dot_general3A_29 {dimension_numbers = #tpu.dot_dimension_numbers<[1], [0], [0], [1], [0, 0, 1, 1], [], []>, transpose_lhs_hint = false} : vector<3x16xf32>, vector<16x4096xf32>, vector<3x4096xf32> -> vector<3x4096xf32>
    %add3A_31 = arith.addf %broadcast_in_dim3A_17, %dot_general3A_30 : vector<3x4096xf32>
    %get3A_32 = arith.constant 0 : index
    %get3A_33 = arith.constant 0 : index
    %get3A_34 = arith.constant 1 : index
    %get3A_35 = vector.load %arg2[%get3A_32, %get3A_33, %get3A_34] : memref<3x16x3xf32, #tpu.memory_space<vmem>>, vector<3x16x1xf32>
    %get3A_36 = vector.shape_cast %get3A_35 : vector<3x16x1xf32> to vector<3x16xf32>
    %dot_general3A_37 = arith.constant dense<0.000000e+00> : vector<3x4096xf32>
    %dot_general3A_38 = tpu.matmul %get3A_36, %get3A_3, %dot_general3A_37 {dimension_numbers = #tpu.dot_dimension_numbers<[1], [0], [0], [1], [0, 0, 1, 1], [], []>, transpose_lhs_hint = false} : vector<3x16xf32>, vector<16x4096xf32>, vector<3x4096xf32> -> vector<3x4096xf32>
    %add3A_39 = arith.addf %add3A, %dot_general3A_38 : vector<3x4096xf32>
    %get3A_40 = arith.constant 0 : index
    %get3A_41 = arith.constant 0 : index
    %get3A_42 = arith.constant 1 : index
    %get3A_43 = vector.load %arg3[%get3A_40, %get3A_41, %get3A_42] : memref<3x16x3xf32, #tpu.memory_space<vmem>>, vector<3x16x1xf32>
    %get3A_44 = vector.shape_cast %get3A_43 : vector<3x16x1xf32> to vector<3x16xf32>
    %dot_general3A_45 = arith.constant dense<0.000000e+00> : vector<3x4096xf32>
    %dot_general3A_46 = tpu.matmul %get3A_44, %get3A_3, %dot_general3A_45 {dimension_numbers = #tpu.dot_dimension_numbers<[1], [0], [0], [1], [0, 0, 1, 1], [], []>, transpose_lhs_hint = false} : vector<3x16xf32>, vector<16x4096xf32>, vector<3x4096xf32> -> vector<3x4096xf32>
    %add3A_47 = arith.addf %add3A_31, %dot_general3A_46 : vector<3x4096xf32>
    %get3A_48 = arith.constant 0 : index
    %get3A_49 = arith.constant 0 : index
    %get3A_50 = arith.constant 2 : index
    %get3A_51 = vector.load %arg2[%get3A_48, %get3A_49, %get3A_50] : memref<3x16x3xf32, #tpu.memory_space<vmem>>, vector<3x16x1xf32>
    %get3A_52 = vector.shape_cast %get3A_51 : vector<3x16x1xf32> to vector<3x16xf32>
    %dot_general3A_53 = arith.constant dense<0.000000e+00> : vector<3x4096xf32>
    %dot_general3A_54 = tpu.matmul %get3A_52, %select_n3A_13, %dot_general3A_53 {dimension_numbers = #tpu.dot_dimension_numbers<[1], [0], [0], [1], [0, 0, 1, 1], [], []>, transpose_lhs_hint = false} : vector<3x16xf32>, vector<16x4096xf32>, vector<3x4096xf32> -> vector<3x4096xf32>
    %add3A_55 = arith.addf %add3A_39, %dot_general3A_54 : vector<3x4096xf32>
    %get3A_56 = arith.constant 0 : index
    %get3A_57 = arith.constant 0 : index
    %get3A_58 = arith.constant 2 : index
    %get3A_59 = vector.load %arg3[%get3A_56, %get3A_57, %get3A_58] : memref<3x16x3xf32, #tpu.memory_space<vmem>>, vector<3x16x1xf32>
    %get3A_60 = vector.shape_cast %get3A_59 : vector<3x16x1xf32> to vector<3x16xf32>
    %dot_general3A_61 = arith.constant dense<0.000000e+00> : vector<3x4096xf32>
    %dot_general3A_62 = tpu.matmul %get3A_60, %select_n3A_13, %dot_general3A_61 {dimension_numbers = #tpu.dot_dimension_numbers<[1], [0], [0], [1], [0, 0, 1, 1], [], []>, transpose_lhs_hint = false} : vector<3x16xf32>, vector<16x4096xf32>, vector<3x4096xf32> -> vector<3x4096xf32>
    %add3A_63 = arith.addf %add3A_47, %dot_general3A_62 : vector<3x4096xf32>
    %neg3A = arith.constant 0.000000e+00 : f32
    %neg3A_64 = vector.broadcast %neg3A : f32 to vector<3x4096xf32>
    %neg3A_65 = arith.subf %neg3A_64, %add3A_63 : vector<3x4096xf32>
    %exp3A = math.exp %neg3A_65 : vector<3x4096xf32>
    %add3A_66 = arith.constant 1.000000e+00 : f32
    %add3A_67 = vector.broadcast %add3A_66 : f32 to vector<3x4096xf32>
    %add3A_68 = arith.addf %add3A_67, %exp3A : vector<3x4096xf32>
    %div3A = arith.constant 1.000000e+00 : f32
    %div3A_69 = vector.broadcast %div3A : f32 to vector<3x4096xf32>
    %div3A_70 = arith.divf %div3A_69, %add3A_68 : vector<3x4096xf32>
    %iota3A_71 = tpu.iota {dimensions = array<i32: 1>} : vector<3x4096xi32>
    %iota3A_72 = tpu.iota {dimensions = array<i32: 0>} : vector<3x4096xi32>
    %convert_element_type3A = arith.fptosi %add3A_55 : vector<3x4096xf32> to vector<3x4096xi32>
    %convert_element_type3A_73 = arith.sitofp %convert_element_type3A : vector<3x4096xi32> to vector<3x4096xf32>
    %sub3A = arith.subf %add3A_55, %convert_element_type3A_73 : vector<3x4096xf32>
    %abs3A = math.absf %sub3A : vector<3x4096xf32>
    %ge3A_74 = arith.constant 0.000000e+00 : f32
    %ge3A_75 = vector.broadcast %ge3A_74 : f32 to vector<3x4096xf32>
    %ge3A_76 = arith.cmpf oge, %sub3A, %ge3A_75 : vector<3x4096xf32>
    %add3A_77 = arith.addi %iota3A_71, %iota3A_72 : vector<3x4096xi32>
    %sub3A_78 = arith.constant 1 : i32
    %sub3A_79 = vector.broadcast %sub3A_78 : i32 to vector<3x4096xi32>
    %sub3A_80 = arith.subi %add3A_77, %sub3A_79 : vector<3x4096xi32>
    %add3A_81 = arith.addi %sub3A_80, %convert_element_type3A : vector<3x4096xi32>
    %jit3A_82 = arith.constant 1 : i32
    %jit3A_83 = arith.constant -1 : i32
    %broadcast_in_dim3A_84 = vector.broadcast %jit3A_82 : i32 to vector<3x4096xi32>
    %broadcast_in_dim3A_85 = vector.broadcast %jit3A_83 : i32 to vector<3x4096xi32>
    %select_n3A_86 = arith.select %ge3A_76, %broadcast_in_dim3A_84, %broadcast_in_dim3A_85 : vector<3x4096xi1>, vector<3x4096xi32>
    %add3A_87 = arith.addi %add3A_81, %select_n3A_86 : vector<3x4096xi32>
    %sub3A_88 = arith.constant 1.000000e+00 : f32
    %sub3A_89 = vector.broadcast %sub3A_88 : f32 to vector<3x4096xf32>
    %sub3A_90 = arith.subf %sub3A_89, %abs3A : vector<3x4096xf32>
    %mul3A = arith.constant 5.000000e-01 : f32
    %mul3A_91 = vector.broadcast %mul3A : f32 to vector<3x4096xf32>
    %mul3A_92 = arith.mulf %mul3A_91, %sub3A_90 : vector<3x4096xf32>
    %mul3A_93 = arith.mulf %mul3A_92, %div3A_70 : vector<3x4096xf32>
    %ge3A_94 = arith.constant 0 : i32
    %ge3A_95 = vector.broadcast %ge3A_94 : i32 to vector<3x4096xi32>
    %ge3A_96 = arith.cmpi sge, %add3A_81, %ge3A_95 : vector<3x4096xi32>
    %lt3A = arith.constant 4096 : i32
    %lt3A_97 = vector.broadcast %lt3A : i32 to vector<3x4096xi32>
    %lt3A_98 = arith.cmpi slt, %add3A_81, %lt3A_97 : vector<3x4096xi32>
    %and3A = arith.andi %ge3A_96, %lt3A_98 : vector<3x4096xi1>
    %convert_element_type3A_99 = arith.extui %and3A : vector<3x4096xi1> to vector<3x4096xi32>
    %convert_element_type3A_100 = arith.sitofp %convert_element_type3A_99 : vector<3x4096xi32> to vector<3x4096xf32>
    %mul3A_101 = arith.mulf %mul3A_93, %convert_element_type3A_100 : vector<3x4096xf32>
    %mul3A_102 = arith.constant 5.000000e-01 : f32
    %mul3A_103 = vector.broadcast %mul3A_102 : f32 to vector<3x4096xf32>
    %mul3A_104 = arith.mulf %mul3A_103, %abs3A : vector<3x4096xf32>
    %mul3A_105 = arith.mulf %mul3A_104, %div3A_70 : vector<3x4096xf32>
    %ge3A_106 = arith.constant 0 : i32
    %ge3A_107 = vector.broadcast %ge3A_106 : i32 to vector<3x4096xi32>
    %ge3A_108 = arith.cmpi sge, %add3A_87, %ge3A_107 : vector<3x4096xi32>
    %lt3A_109 = arith.constant 4096 : i32
    %lt3A_110 = vector.broadcast %lt3A_109 : i32 to vector<3x4096xi32>
    %lt3A_111 = arith.cmpi slt, %add3A_87, %lt3A_110 : vector<3x4096xi32>
    %and3A_112 = arith.andi %ge3A_108, %lt3A_111 : vector<3x4096xi1>
    %convert_element_type3A_113 = arith.extui %and3A_112 : vector<3x4096xi1> to vector<3x4096xi32>
    %convert_element_type3A_114 = arith.sitofp %convert_element_type3A_113 : vector<3x4096xi32> to vector<3x4096xf32>
    %mul3A_115 = arith.mulf %mul3A_105, %convert_element_type3A_114 : vector<3x4096xf32>
    %select_n3A_116 = arith.select %ge3A_76, %mul3A_101, %mul3A_115 : vector<3x4096xi1>, vector<3x4096xf32>
    %select_n3A_117 = arith.select %ge3A_76, %mul3A_115, %mul3A_101 : vector<3x4096xi1>, vector<3x4096xf32>
    %min3A = arith.minsi %add3A_81, %add3A_87 : vector<3x4096xi32>
    %mul3A_118 = arith.constant 4100 : i32
    %mul3A_119 = arith.muli %arg0, %mul3A_118 : i32
    %add3A_120 = arith.constant 2 : i32
    %add3A_121 = arith.addi %mul3A_119, %add3A_120 : i32
    %jit3A_122 = arith.constant -2 : i32
    %jit3A_123 = arith.constant 4096 : i32
    %max3A = vector.broadcast %jit3A_122 : i32 to vector<3x4096xi32>
    %max3A_124 = arith.maxsi %max3A, %min3A : vector<3x4096xi32>
    %min3A_125 = vector.broadcast %jit3A_123 : i32 to vector<3x4096xi32>
    %min3A_126 = arith.minsi %min3A_125, %max3A_124 : vector<3x4096xi32>
    %add3A_127 = vector.broadcast %add3A_121 : i32 to vector<3x4096xi32>
    %add3A_128 = arith.addi %add3A_127, %min3A_126 : vector<3x4096xi32>
    %transpose3A = tpu.transpose %add3A_128, [1, 0] : vector<3x4096xi32> -> vector<4096x3xi32>
    %swap3A = arith.constant 0 : index
    %swap3A_129 = arith.constant 0 : index
    %swap3A_130 = arith.constant 0 : index
    %swap3A_131 = vector.load %arg4[%swap3A, %swap3A_129, %swap3A_130] : memref<1x4096x3xi32, #tpu.memory_space<vmem>>, vector<1x4096x3xi32>
    %swap3A_132 = vector.shape_cast %swap3A_131 : vector<1x4096x3xi32> to vector<4096x3xi32>
    %swap3A_133 = vector.shape_cast %transpose3A : vector<4096x3xi32> to vector<1x4096x3xi32>
    tpu.vector_store %arg4[%swap3A, %swap3A_129, %swap3A_130], %swap3A_133 {strides = array<i32>} : memref<1x4096x3xi32, #tpu.memory_space<vmem>>, vector<1x4096x3xi32>,
    %concatenate3A = tpu.concatenate %select_n3A_116, %select_n3A_117, %div3A_70 in 0 : vector<3x4096xf32>, vector<3x4096xf32>, vector<3x4096xf32> -> vector<9x4096xf32>
    %transpose3A_134 = tpu.transpose %concatenate3A, [1, 0] : vector<9x4096xf32> -> vector<4096x9xf32>
    %swap3A_135 = arith.constant 0 : index
    %swap3A_136 = arith.constant 0 : index
    %swap3A_137 = arith.constant 0 : index
    %swap3A_138 = vector.load %arg5[%swap3A_135, %swap3A_136, %swap3A_137] : memref<1x4096x9xf32, #tpu.memory_space<vmem>>, vector<1x4096x9xf32>
    %swap3A_139 = vector.shape_cast %swap3A_138 : vector<1x4096x9xf32> to vector<4096x9xf32>
    %swap3A_140 = vector.shape_cast %transpose3A_134 : vector<4096x9xf32> to vector<1x4096x9xf32>
    tpu.vector_store %arg5[%swap3A_135, %swap3A_136, %swap3A_137], %swap3A_140 {strides = array<i32>} : memref<1x4096x9xf32, #tpu.memory_space<vmem>>, vector<1x4096x9xf32>,
    %transpose3A_141 = tpu.transpose %get3A_3, [1, 0] : vector<16x4096xf32> -> vector<4096x16xf32>
    %broadcast_in_dim3A_142 = arith.constant 0.000000e+00 : f32
    %broadcast_in_dim3A_143 = vector.broadcast %broadcast_in_dim3A_142 : f32 to vector<2x16xf32>
    %swap3A_144 = arith.constant 0 : index
    %swap3A_145 = arith.constant 0 : index
    %swap3A_146 = arith.constant 0 : index
    %swap3A_147 = vector.load %arg6[%swap3A_144, %swap3A_145, %swap3A_146] : memref<1x4100x32xf32, #tpu.memory_space<vmem>>, vector<1x2x16xf32>
    %swap3A_148 = vector.shape_cast %swap3A_147 : vector<1x2x16xf32> to vector<2x16xf32>
    %swap3A_149 = vector.shape_cast %broadcast_in_dim3A_143 : vector<2x16xf32> to vector<1x2x16xf32>
    tpu.vector_store %arg6[%swap3A_144, %swap3A_145, %swap3A_146], %swap3A_149 {strides = array<i32>} : memref<1x4100x32xf32, #tpu.memory_space<vmem>>, vector<1x2x16xf32>,
    %swap3A_150 = arith.constant 0 : index
    %swap3A_151 = arith.constant 2 : index
    %swap3A_152 = arith.constant 0 : index
    %swap3A_153 = vector.load %arg6[%swap3A_150, %swap3A_151, %swap3A_152] : memref<1x4100x32xf32, #tpu.memory_space<vmem>>, vector<1x4096x16xf32>
    %swap3A_154 = vector.shape_cast %swap3A_153 : vector<1x4096x16xf32> to vector<4096x16xf32>
    %swap3A_155 = vector.shape_cast %transpose3A_141 : vector<4096x16xf32> to vector<1x4096x16xf32>
    tpu.vector_store %arg6[%swap3A_150, %swap3A_151, %swap3A_152], %swap3A_155 {strides = array<i32>} : memref<1x4100x32xf32, #tpu.memory_space<vmem>>, vector<1x4096x16xf32>,
    %swap3A_156 = arith.constant 0 : index
    %swap3A_157 = arith.constant 4098 : index
    %swap3A_158 = arith.constant 0 : index
    %swap3A_159 = vector.load %arg6[%swap3A_156, %swap3A_157, %swap3A_158] : memref<1x4100x32xf32, #tpu.memory_space<vmem>>, vector<1x2x16xf32>
    %swap3A_160 = vector.shape_cast %swap3A_159 : vector<1x2x16xf32> to vector<2x16xf32>
    %swap3A_161 = vector.shape_cast %broadcast_in_dim3A_143 : vector<2x16xf32> to vector<1x2x16xf32>
    tpu.vector_store %arg6[%swap3A_156, %swap3A_157, %swap3A_158], %swap3A_161 {strides = array<i32>} : memref<1x4100x32xf32, #tpu.memory_space<vmem>>, vector<1x2x16xf32>,
    %slice3A = vector.extract_strided_slice %broadcast_in_dim3A_143 {offsets = [0, 0], sizes = [1, 16], strides = [1, 1]} : vector<2x16xf32> to vector<1x16xf32>
    %swap3A_162 = arith.constant 0 : index
    %swap3A_163 = arith.constant 0 : index
    %swap3A_164 = arith.constant 16 : index
    %swap3A_165 = vector.load %arg6[%swap3A_162, %swap3A_163, %swap3A_164] : memref<1x4100x32xf32, #tpu.memory_space<vmem>>, vector<1x1x16xf32>
    %swap3A_166 = vector.shape_cast %swap3A_165 : vector<1x1x16xf32> to vector<1x16xf32>
    %swap3A_167 = vector.shape_cast %slice3A : vector<1x16xf32> to vector<1x1x16xf32>
    tpu.vector_store %arg6[%swap3A_162, %swap3A_163, %swap3A_164], %swap3A_167 {strides = array<i32>} : memref<1x4100x32xf32, #tpu.memory_space<vmem>>, vector<1x1x16xf32>,
    %swap3A_168 = arith.constant 0 : index
    %swap3A_169 = arith.constant 1 : index
    %swap3A_170 = arith.constant 16 : index
    %swap3A_171 = vector.load %arg6[%swap3A_168, %swap3A_169, %swap3A_170] : memref<1x4100x32xf32, #tpu.memory_space<vmem>>, vector<1x4096x16xf32>
    %swap3A_172 = vector.shape_cast %swap3A_171 : vector<1x4096x16xf32> to vector<4096x16xf32>
    %swap3A_173 = vector.shape_cast %transpose3A_141 : vector<4096x16xf32> to vector<1x4096x16xf32>
    tpu.vector_store %arg6[%swap3A_168, %swap3A_169, %swap3A_170], %swap3A_173 {strides = array<i32>} : memref<1x4100x32xf32, #tpu.memory_space<vmem>>, vector<1x4096x16xf32>,
    %broadcast_in_dim3A_174 = arith.constant 0.000000e+00 : f32
    %broadcast_in_dim3A_175 = vector.broadcast %broadcast_in_dim3A_174 : f32 to vector<3x16xf32>
    %swap3A_176 = arith.constant 0 : index
    %swap3A_177 = arith.constant 4097 : index
    %swap3A_178 = arith.constant 16 : index
    %swap3A_179 = vector.load %arg6[%swap3A_176, %swap3A_177, %swap3A_178] : memref<1x4100x32xf32, #tpu.memory_space<vmem>>, vector<1x3x16xf32>
    %swap3A_180 = vector.shape_cast %swap3A_179 : vector<1x3x16xf32> to vector<3x16xf32>
    %swap3A_181 = vector.shape_cast %broadcast_in_dim3A_175 : vector<3x16xf32> to vector<1x3x16xf32>
    tpu.vector_store %arg6[%swap3A_176, %swap3A_177, %swap3A_178], %swap3A_181 {strides = array<i32>} : memref<1x4100x32xf32, #tpu.memory_space<vmem>>, vector<1x3x16xf32>,
    return
  }
  func.func @transform_0(%arg0: i32) -> (i32, i32, i32) {
    %c0_i32 = arith.constant 0 : i32
    %c0_i32_0 = arith.constant 0 : i32
    %c0_i32_1 = arith.constant 0 : i32
    return %arg0, %c0_i32, %c0_i32_0 : i32, i32, i32
  }
  func.func @transform_1(%arg0: i32) -> (i32, i32, i32) {
    %c0_i32 = arith.constant 0 : i32
    %c0_i32_0 = arith.constant 0 : i32
    %c0_i32_1 = arith.constant 0 : i32
    %c0_i32_2 = arith.constant 0 : i32
    return %c0_i32, %c0_i32_0, %c0_i32_1 : i32, i32, i32
  }
  func.func @transform_2(%arg0: i32) -> (i32, i32, i32) {
    %c0_i32 = arith.constant 0 : i32
    %c0_i32_0 = arith.constant 0 : i32
    %c0_i32_1 = arith.constant 0 : i32
    %c0_i32_2 = arith.constant 0 : i32
    return %c0_i32, %c0_i32_0, %c0_i32_1 : i32, i32, i32
  }
  func.func @transform_3(%arg0: i32) -> (i32, i32, i32) {
    %c0_i32 = arith.constant 0 : i32
    %c0_i32_0 = arith.constant 0 : i32
    %c0_i32_1 = arith.constant 0 : i32
    return %arg0, %c0_i32, %c0_i32_0 : i32, i32, i32
  }
  func.func @transform_4(%arg0: i32) -> (i32, i32, i32) {
    %c0_i32 = arith.constant 0 : i32
    %c0_i32_0 = arith.constant 0 : i32
    %c0_i32_1 = arith.constant 0 : i32
    return %arg0, %c0_i32, %c0_i32_0 : i32, i32, i32
  }
  func.func @transform_5(%arg0: i32) -> (i32, i32, i32) {
    %c0_i32 = arith.constant 0 : i32
    %c0_i32_0 = arith.constant 0 : i32
    %c0_i32_1 = arith.constant 0 : i32
    return %arg0, %c0_i32, %c0_i32_0 : i32, i32, i32
  }
}

module attributes {stable_mosaic.version = 14 : i64} {
  func.func @_comb_body(%arg0: i32, %arg1: memref<1x4100x32xf32, #tpu.memory_space<vmem>>, %arg2: memref<16x16x3xf32, #tpu.memory_space<vmem>>, %arg3: memref<16x16x3xf32, #tpu.memory_space<vmem>>, %arg4: memref<1x4096x9xf32, #tpu.memory_space<vmem>>, %arg5: memref<1x16x1xf32, #tpu.memory_space<vmem>>, %arg6: memref<1x4096x96xf32, #tpu.memory_space<vmem>>, %arg7: memref<1x16x4096xf32, #tpu.memory_space<vmem>>) attributes {dimension_semantics = [#tpu.dimension_semantics<arbitrary>], iteration_bounds = array<i64: 4>, scalar_prefetch = 0 : i64, scratch_operands = 0 : i64, tpu.core_type = #tpu.core_type<tc>, window_params = [{transform_indices = @transform_0, window_bounds = array<i64: 1, 4100, 32>}, {pipeline_mode = #tpu.pipeline_mode<synchronous>, transform_indices = @transform_1, window_bounds = array<i64: 16, 16, 3>}, {pipeline_mode = #tpu.pipeline_mode<synchronous>, transform_indices = @transform_2, window_bounds = array<i64: 16, 16, 3>}, {transform_indices = @transform_3, window_bounds = array<i64: 1, 4096, 9>}, {pipeline_mode = #tpu.pipeline_mode<synchronous>, transform_indices = @transform_4, window_bounds = array<i64: 1, 16, 1>}, {transform_indices = @transform_5, window_bounds = array<i64: 1, 4096, 96>}, {transform_indices = @transform_6, window_bounds = array<i64: 1, 16, 4096>}]} {
    %get3A = arith.constant 0 : index
    %get3A_0 = arith.constant 0 : index
    %get3A_1 = arith.constant 0 : index
    %get3A_2 = vector.load %arg2[%get3A, %get3A_0, %get3A_1] : memref<16x16x3xf32, #tpu.memory_space<vmem>>, vector<16x16x1xf32>
    %get3A_3 = vector.shape_cast %get3A_2 : vector<16x16x1xf32> to vector<16x16xf32>
    %transpose3A = tpu.transpose %get3A_3, [1, 0] : vector<16x16xf32> -> vector<16x16xf32>
    %get3A_4 = arith.constant 0 : index
    %get3A_5 = arith.constant 0 : index
    %get3A_6 = arith.constant 1 : index
    %get3A_7 = vector.load %arg2[%get3A_4, %get3A_5, %get3A_6] : memref<16x16x3xf32, #tpu.memory_space<vmem>>, vector<16x16x1xf32>
    %get3A_8 = vector.shape_cast %get3A_7 : vector<16x16x1xf32> to vector<16x16xf32>
    %transpose3A_9 = tpu.transpose %get3A_8, [1, 0] : vector<16x16xf32> -> vector<16x16xf32>
    %get3A_10 = arith.constant 0 : index
    %get3A_11 = arith.constant 0 : index
    %get3A_12 = arith.constant 2 : index
    %get3A_13 = vector.load %arg2[%get3A_10, %get3A_11, %get3A_12] : memref<16x16x3xf32, #tpu.memory_space<vmem>>, vector<16x16x1xf32>
    %get3A_14 = vector.shape_cast %get3A_13 : vector<16x16x1xf32> to vector<16x16xf32>
    %transpose3A_15 = tpu.transpose %get3A_14, [1, 0] : vector<16x16xf32> -> vector<16x16xf32>
    %concatenate3A = tpu.concatenate %transpose3A, %transpose3A_9, %transpose3A_15 in 1 : vector<16x16xf32>, vector<16x16xf32>, vector<16x16xf32> -> vector<16x48xf32>
    %get3A_16 = arith.constant 0 : index
    %get3A_17 = arith.constant 0 : index
    %get3A_18 = arith.constant 0 : index
    %get3A_19 = vector.load %arg3[%get3A_16, %get3A_17, %get3A_18] : memref<16x16x3xf32, #tpu.memory_space<vmem>>, vector<16x16x1xf32>
    %get3A_20 = vector.shape_cast %get3A_19 : vector<16x16x1xf32> to vector<16x16xf32>
    %transpose3A_21 = tpu.transpose %get3A_20, [1, 0] : vector<16x16xf32> -> vector<16x16xf32>
    %get3A_22 = arith.constant 0 : index
    %get3A_23 = arith.constant 0 : index
    %get3A_24 = arith.constant 1 : index
    %get3A_25 = vector.load %arg3[%get3A_22, %get3A_23, %get3A_24] : memref<16x16x3xf32, #tpu.memory_space<vmem>>, vector<16x16x1xf32>
    %get3A_26 = vector.shape_cast %get3A_25 : vector<16x16x1xf32> to vector<16x16xf32>
    %transpose3A_27 = tpu.transpose %get3A_26, [1, 0] : vector<16x16xf32> -> vector<16x16xf32>
    %get3A_28 = arith.constant 0 : index
    %get3A_29 = arith.constant 0 : index
    %get3A_30 = arith.constant 2 : index
    %get3A_31 = vector.load %arg3[%get3A_28, %get3A_29, %get3A_30] : memref<16x16x3xf32, #tpu.memory_space<vmem>>, vector<16x16x1xf32>
    %get3A_32 = vector.shape_cast %get3A_31 : vector<16x16x1xf32> to vector<16x16xf32>
    %transpose3A_33 = tpu.transpose %get3A_32, [1, 0] : vector<16x16xf32> -> vector<16x16xf32>
    %concatenate3A_34 = tpu.concatenate %transpose3A_21, %transpose3A_27, %transpose3A_33 in 1 : vector<16x16xf32>, vector<16x16xf32>, vector<16x16xf32> -> vector<16x48xf32>
    %convert_element_type3A = arith.fptosi %concatenate3A_34 : vector<16x48xf32> to vector<16x48xi32>
    %convert_element_type3A_35 = arith.sitofp %convert_element_type3A : vector<16x48xi32> to vector<16x48xf32>
    %sub3A = arith.subf %concatenate3A_34, %convert_element_type3A_35 : vector<16x48xf32>
    %abs3A = math.absf %sub3A : vector<16x48xf32>
    %iota3A = tpu.iota {dimensions = array<i32: 1>} : vector<16x48xi32>
    %jit3A = arith.constant 16 : i32
    %div3A = vector.broadcast %jit3A : i32 to vector<16x48xi32>
    %div3A_36 = arith.divsi %iota3A, %div3A : vector<16x48xi32>
    %sign3A = arith.constant 0 : i32
    %sign3A_37 = vector.broadcast %sign3A : i32 to vector<16x48xi32>
    %sign3A_38 = arith.cmpi sgt, %iota3A, %sign3A_37 : vector<16x48xi32>
    %sign3A_39 = arith.extui %sign3A_38 : vector<16x48xi1> to vector<16x48xi32>
    %sign3A_40 = arith.constant 0 : i32
    %sign3A_41 = vector.broadcast %sign3A_40 : i32 to vector<16x48xi32>
    %sign3A_42 = arith.cmpi slt, %iota3A, %sign3A_41 : vector<16x48xi32>
    %sign3A_43 = arith.extui %sign3A_42 : vector<16x48xi1> to vector<16x48xi32>
    %sign3A_44 = arith.subi %sign3A_39, %sign3A_43 : vector<16x48xi32>
    %sign3A_45 = arith.constant 0 : i32
    %sign3A_46 = arith.cmpi sgt, %jit3A, %sign3A_45 : i32
    %sign3A_47 = arith.extui %sign3A_46 : i1 to i32
    %sign3A_48 = arith.constant 0 : i32
    %sign3A_49 = arith.cmpi slt, %jit3A, %sign3A_48 : i32
    %sign3A_50 = arith.extui %sign3A_49 : i1 to i32
    %sign3A_51 = arith.subi %sign3A_47, %sign3A_50 : i32
    %ne3A = vector.broadcast %sign3A_51 : i32 to vector<16x48xi32>
    %ne3A_52 = arith.cmpi ne, %sign3A_44, %ne3A : vector<16x48xi32>
    %rem3A = vector.broadcast %jit3A : i32 to vector<16x48xi32>
    %rem3A_53 = arith.remsi %iota3A, %rem3A : vector<16x48xi32>
    %ne3A_54 = arith.constant 0 : i32
    %ne3A_55 = vector.broadcast %ne3A_54 : i32 to vector<16x48xi32>
    %ne3A_56 = arith.cmpi ne, %rem3A_53, %ne3A_55 : vector<16x48xi32>
    %and3A = arith.andi %ne3A_52, %ne3A_56 : vector<16x48xi1>
    %sub3A_57 = arith.constant 1 : i32
    %sub3A_58 = vector.broadcast %sub3A_57 : i32 to vector<16x48xi32>
    %sub3A_59 = arith.subi %div3A_36, %sub3A_58 : vector<16x48xi32>
    %select_n3A = arith.select %and3A, %sub3A_59, %div3A_36 : vector<16x48xi1>, vector<16x48xi32>
    %sub3A_60 = arith.constant 1 : i32
    %sub3A_61 = vector.broadcast %sub3A_60 : i32 to vector<16x48xi32>
    %sub3A_62 = arith.subi %select_n3A, %sub3A_61 : vector<16x48xi32>
    %add3A = arith.addi %sub3A_62, %convert_element_type3A : vector<16x48xi32>
    %ge3A = arith.constant 0.000000e+00 : f32
    %ge3A_63 = vector.broadcast %ge3A : f32 to vector<16x48xf32>
    %ge3A_64 = arith.cmpf oge, %sub3A, %ge3A_63 : vector<16x48xf32>
    %jit3A_65 = arith.constant 1 : i32
    %jit3A_66 = arith.constant -1 : i32
    %broadcast_in_dim3A = vector.broadcast %jit3A_65 : i32 to vector<16x48xi32>
    %broadcast_in_dim3A_67 = vector.broadcast %jit3A_66 : i32 to vector<16x48xi32>
    %select_n3A_68 = arith.select %ge3A_64, %broadcast_in_dim3A, %broadcast_in_dim3A_67 : vector<16x48xi1>, vector<16x48xi32>
    %add3A_69 = arith.addi %add3A, %select_n3A_68 : vector<16x48xi32>
    %mul3A = arith.constant 5.000000e-01 : f32
    %mul3A_70 = vector.broadcast %mul3A : f32 to vector<16x48xf32>
    %mul3A_71 = arith.mulf %mul3A_70, %concatenate3A : vector<16x48xf32>
    %sub3A_72 = arith.constant 1.000000e+00 : f32
    %sub3A_73 = vector.broadcast %sub3A_72 : f32 to vector<16x48xf32>
    %sub3A_74 = arith.subf %sub3A_73, %abs3A : vector<16x48xf32>
    %mul3A_75 = arith.mulf %mul3A_71, %sub3A_74 : vector<16x48xf32>
    %mul3A_76 = arith.constant 5.000000e-01 : f32
    %mul3A_77 = vector.broadcast %mul3A_76 : f32 to vector<16x48xf32>
    %mul3A_78 = arith.mulf %mul3A_77, %concatenate3A : vector<16x48xf32>
    %mul3A_79 = arith.mulf %mul3A_78, %abs3A : vector<16x48xf32>
    %broadcast_in_dim3A_80 = arith.constant 0.000000e+00 : f32
    %broadcast_in_dim3A_81 = vector.broadcast %broadcast_in_dim3A_80 : f32 to vector<4096x48xf32>
    %eq3A = arith.constant -2 : i32
    %eq3A_82 = vector.broadcast %eq3A : i32 to vector<16x48xi32>
    %eq3A_83 = arith.cmpi eq, %add3A, %eq3A_82 : vector<16x48xi32>
    %convert_element_type3A_84 = arith.extui %eq3A_83 : vector<16x48xi1> to vector<16x48xi32>
    %convert_element_type3A_85 = arith.sitofp %convert_element_type3A_84 : vector<16x48xi32> to vector<16x48xf32>
    %mul3A_86 = arith.mulf %mul3A_75, %convert_element_type3A_85 : vector<16x48xf32>
    %eq3A_87 = arith.constant -2 : i32
    %eq3A_88 = vector.broadcast %eq3A_87 : i32 to vector<16x48xi32>
    %eq3A_89 = arith.cmpi eq, %add3A_69, %eq3A_88 : vector<16x48xi32>
    %convert_element_type3A_90 = arith.extui %eq3A_89 : vector<16x48xi1> to vector<16x48xi32>
    %convert_element_type3A_91 = arith.sitofp %convert_element_type3A_90 : vector<16x48xi32> to vector<16x48xf32>
    %mul3A_92 = arith.mulf %mul3A_79, %convert_element_type3A_91 : vector<16x48xf32>
    %add3A_93 = arith.addf %mul3A_86, %mul3A_92 : vector<16x48xf32>
    %get3A_94 = arith.constant 0 : index
    %get3A_95 = arith.constant 0 : index
    %get3A_96 = arith.constant 0 : index
    %get3A_97 = vector.load %arg1[%get3A_94, %get3A_95, %get3A_96] : memref<1x4100x32xf32, #tpu.memory_space<vmem>>, vector<1x4096x16xf32>
    %get3A_98 = vector.shape_cast %get3A_97 : vector<1x4096x16xf32> to vector<4096x16xf32>
    %dot_general3A = arith.constant dense<0.000000e+00> : vector<4096x48xf32>
    %dot_general3A_99 = tpu.matmul %get3A_98, %add3A_93, %dot_general3A {dimension_numbers = #tpu.dot_dimension_numbers<[1], [0], [0], [1], [0, 0, 1, 1], [], []>, transpose_lhs_hint = false} : vector<4096x16xf32>, vector<16x48xf32>, vector<4096x48xf32> -> vector<4096x48xf32>
    %add3A_100 = arith.addf %broadcast_in_dim3A_81, %dot_general3A_99 : vector<4096x48xf32>
    %eq3A_101 = arith.constant -1 : i32
    %eq3A_102 = vector.broadcast %eq3A_101 : i32 to vector<16x48xi32>
    %eq3A_103 = arith.cmpi eq, %add3A, %eq3A_102 : vector<16x48xi32>
    %convert_element_type3A_104 = arith.extui %eq3A_103 : vector<16x48xi1> to vector<16x48xi32>
    %convert_element_type3A_105 = arith.sitofp %convert_element_type3A_104 : vector<16x48xi32> to vector<16x48xf32>
    %mul3A_106 = arith.mulf %mul3A_75, %convert_element_type3A_105 : vector<16x48xf32>
    %eq3A_107 = arith.constant -1 : i32
    %eq3A_108 = vector.broadcast %eq3A_107 : i32 to vector<16x48xi32>
    %eq3A_109 = arith.cmpi eq, %add3A_69, %eq3A_108 : vector<16x48xi32>
    %convert_element_type3A_110 = arith.extui %eq3A_109 : vector<16x48xi1> to vector<16x48xi32>
    %convert_element_type3A_111 = arith.sitofp %convert_element_type3A_110 : vector<16x48xi32> to vector<16x48xf32>
    %mul3A_112 = arith.mulf %mul3A_79, %convert_element_type3A_111 : vector<16x48xf32>
    %add3A_113 = arith.addf %mul3A_106, %mul3A_112 : vector<16x48xf32>
    %get3A_114 = arith.constant 0 : index
    %get3A_115 = arith.constant 1 : index
    %get3A_116 = arith.constant 0 : index
    %get3A_117 = vector.load %arg1[%get3A_114, %get3A_115, %get3A_116] : memref<1x4100x32xf32, #tpu.memory_space<vmem>>, vector<1x4096x16xf32>
    %get3A_118 = vector.shape_cast %get3A_117 : vector<1x4096x16xf32> to vector<4096x16xf32>
    %dot_general3A_119 = arith.constant dense<0.000000e+00> : vector<4096x48xf32>
    %dot_general3A_120 = tpu.matmul %get3A_118, %add3A_113, %dot_general3A_119 {dimension_numbers = #tpu.dot_dimension_numbers<[1], [0], [0], [1], [0, 0, 1, 1], [], []>, transpose_lhs_hint = false} : vector<4096x16xf32>, vector<16x48xf32>, vector<4096x48xf32> -> vector<4096x48xf32>
    %add3A_121 = arith.addf %add3A_100, %dot_general3A_120 : vector<4096x48xf32>
    %eq3A_122 = arith.constant 0 : i32
    %eq3A_123 = vector.broadcast %eq3A_122 : i32 to vector<16x48xi32>
    %eq3A_124 = arith.cmpi eq, %add3A, %eq3A_123 : vector<16x48xi32>
    %convert_element_type3A_125 = arith.extui %eq3A_124 : vector<16x48xi1> to vector<16x48xi32>
    %convert_element_type3A_126 = arith.sitofp %convert_element_type3A_125 : vector<16x48xi32> to vector<16x48xf32>
    %mul3A_127 = arith.mulf %mul3A_75, %convert_element_type3A_126 : vector<16x48xf32>
    %eq3A_128 = arith.constant 0 : i32
    %eq3A_129 = vector.broadcast %eq3A_128 : i32 to vector<16x48xi32>
    %eq3A_130 = arith.cmpi eq, %add3A_69, %eq3A_129 : vector<16x48xi32>
    %convert_element_type3A_131 = arith.extui %eq3A_130 : vector<16x48xi1> to vector<16x48xi32>
    %convert_element_type3A_132 = arith.sitofp %convert_element_type3A_131 : vector<16x48xi32> to vector<16x48xf32>
    %mul3A_133 = arith.mulf %mul3A_79, %convert_element_type3A_132 : vector<16x48xf32>
    %add3A_134 = arith.addf %mul3A_127, %mul3A_133 : vector<16x48xf32>
    %get3A_135 = arith.constant 0 : index
    %get3A_136 = arith.constant 2 : index
    %get3A_137 = arith.constant 0 : index
    %get3A_138 = vector.load %arg1[%get3A_135, %get3A_136, %get3A_137] : memref<1x4100x32xf32, #tpu.memory_space<vmem>>, vector<1x4096x16xf32>
    %get3A_139 = vector.shape_cast %get3A_138 : vector<1x4096x16xf32> to vector<4096x16xf32>
    %dot_general3A_140 = arith.constant dense<0.000000e+00> : vector<4096x48xf32>
    %dot_general3A_141 = tpu.matmul %get3A_139, %add3A_134, %dot_general3A_140 {dimension_numbers = #tpu.dot_dimension_numbers<[1], [0], [0], [1], [0, 0, 1, 1], [], []>, transpose_lhs_hint = false} : vector<4096x16xf32>, vector<16x48xf32>, vector<4096x48xf32> -> vector<4096x48xf32>
    %add3A_142 = arith.addf %add3A_121, %dot_general3A_141 : vector<4096x48xf32>
    %eq3A_143 = arith.constant 1 : i32
    %eq3A_144 = vector.broadcast %eq3A_143 : i32 to vector<16x48xi32>
    %eq3A_145 = arith.cmpi eq, %add3A, %eq3A_144 : vector<16x48xi32>
    %convert_element_type3A_146 = arith.extui %eq3A_145 : vector<16x48xi1> to vector<16x48xi32>
    %convert_element_type3A_147 = arith.sitofp %convert_element_type3A_146 : vector<16x48xi32> to vector<16x48xf32>
    %mul3A_148 = arith.mulf %mul3A_75, %convert_element_type3A_147 : vector<16x48xf32>
    %eq3A_149 = arith.constant 1 : i32
    %eq3A_150 = vector.broadcast %eq3A_149 : i32 to vector<16x48xi32>
    %eq3A_151 = arith.cmpi eq, %add3A_69, %eq3A_150 : vector<16x48xi32>
    %convert_element_type3A_152 = arith.extui %eq3A_151 : vector<16x48xi1> to vector<16x48xi32>
    %convert_element_type3A_153 = arith.sitofp %convert_element_type3A_152 : vector<16x48xi32> to vector<16x48xf32>
    %mul3A_154 = arith.mulf %mul3A_79, %convert_element_type3A_153 : vector<16x48xf32>
    %add3A_155 = arith.addf %mul3A_148, %mul3A_154 : vector<16x48xf32>
    %get3A_156 = arith.constant 0 : index
    %get3A_157 = arith.constant 3 : index
    %get3A_158 = arith.constant 0 : index
    %get3A_159 = vector.load %arg1[%get3A_156, %get3A_157, %get3A_158] : memref<1x4100x32xf32, #tpu.memory_space<vmem>>, vector<1x4096x16xf32>
    %get3A_160 = vector.shape_cast %get3A_159 : vector<1x4096x16xf32> to vector<4096x16xf32>
    %dot_general3A_161 = arith.constant dense<0.000000e+00> : vector<4096x48xf32>
    %dot_general3A_162 = tpu.matmul %get3A_160, %add3A_155, %dot_general3A_161 {dimension_numbers = #tpu.dot_dimension_numbers<[1], [0], [0], [1], [0, 0, 1, 1], [], []>, transpose_lhs_hint = false} : vector<4096x16xf32>, vector<16x48xf32>, vector<4096x48xf32> -> vector<4096x48xf32>
    %add3A_163 = arith.addf %add3A_142, %dot_general3A_162 : vector<4096x48xf32>
    %eq3A_164 = arith.constant 2 : i32
    %eq3A_165 = vector.broadcast %eq3A_164 : i32 to vector<16x48xi32>
    %eq3A_166 = arith.cmpi eq, %add3A, %eq3A_165 : vector<16x48xi32>
    %convert_element_type3A_167 = arith.extui %eq3A_166 : vector<16x48xi1> to vector<16x48xi32>
    %convert_element_type3A_168 = arith.sitofp %convert_element_type3A_167 : vector<16x48xi32> to vector<16x48xf32>
    %mul3A_169 = arith.mulf %mul3A_75, %convert_element_type3A_168 : vector<16x48xf32>
    %eq3A_170 = arith.constant 2 : i32
    %eq3A_171 = vector.broadcast %eq3A_170 : i32 to vector<16x48xi32>
    %eq3A_172 = arith.cmpi eq, %add3A_69, %eq3A_171 : vector<16x48xi32>
    %convert_element_type3A_173 = arith.extui %eq3A_172 : vector<16x48xi1> to vector<16x48xi32>
    %convert_element_type3A_174 = arith.sitofp %convert_element_type3A_173 : vector<16x48xi32> to vector<16x48xf32>
    %mul3A_175 = arith.mulf %mul3A_79, %convert_element_type3A_174 : vector<16x48xf32>
    %add3A_176 = arith.addf %mul3A_169, %mul3A_175 : vector<16x48xf32>
    %get3A_177 = arith.constant 0 : index
    %get3A_178 = arith.constant 4 : index
    %get3A_179 = arith.constant 0 : index
    %get3A_180 = vector.load %arg1[%get3A_177, %get3A_178, %get3A_179] : memref<1x4100x32xf32, #tpu.memory_space<vmem>>, vector<1x4096x16xf32>
    %get3A_181 = vector.shape_cast %get3A_180 : vector<1x4096x16xf32> to vector<4096x16xf32>
    %dot_general3A_182 = arith.constant dense<0.000000e+00> : vector<4096x48xf32>
    %dot_general3A_183 = tpu.matmul %get3A_181, %add3A_176, %dot_general3A_182 {dimension_numbers = #tpu.dot_dimension_numbers<[1], [0], [0], [1], [0, 0, 1, 1], [], []>, transpose_lhs_hint = false} : vector<4096x16xf32>, vector<16x48xf32>, vector<4096x48xf32> -> vector<4096x48xf32>
    %add3A_184 = arith.addf %add3A_163, %dot_general3A_183 : vector<4096x48xf32>
    %get3A_185 = arith.constant 0 : index
    %get3A_186 = arith.constant 0 : index
    %get3A_187 = arith.constant 0 : index
    %get3A_188 = vector.load %arg5[%get3A_185, %get3A_186, %get3A_187] : memref<1x16x1xf32, #tpu.memory_space<vmem>>, vector<1x16x1xf32>
    %get3A_189 = vector.shape_cast %get3A_188 : vector<1x16x1xf32> to vector<16x1xf32>
    %transpose3A_190 = tpu.transpose %get3A_189, [1, 0] : vector<16x1xf32> -> vector<1x16xf32>
    %get3A_191 = arith.constant 0 : index
    %get3A_192 = arith.constant 0 : index
    %get3A_193 = arith.constant 6 : index
    %get3A_194 = vector.load %arg4[%get3A_191, %get3A_192, %get3A_193] : memref<1x4096x9xf32, #tpu.memory_space<vmem>>, vector<1x4096x1xf32>
    %get3A_195 = vector.shape_cast %get3A_194 : vector<1x4096x1xf32> to vector<4096x1xf32>
    %slice3A = vector.extract_strided_slice %add3A_184 {offsets = [0, 0], sizes = [4096, 16], strides = [1, 1]} : vector<4096x48xf32> to vector<4096x16xf32>
    %mul3A_196 = vector.broadcast %get3A_195 : vector<4096x1xf32> to vector<4096x16xf32>
    %mul3A_197 = arith.mulf %mul3A_196, %slice3A : vector<4096x16xf32>
    %add3A_198 = vector.broadcast %transpose3A_190 : vector<1x16xf32> to vector<4096x16xf32>
    %add3A_199 = arith.addf %add3A_198, %mul3A_197 : vector<4096x16xf32>
    %get3A_200 = arith.constant 0 : index
    %get3A_201 = arith.constant 0 : index
    %get3A_202 = arith.constant 7 : index
    %get3A_203 = vector.load %arg4[%get3A_200, %get3A_201, %get3A_202] : memref<1x4096x9xf32, #tpu.memory_space<vmem>>, vector<1x4096x1xf32>
    %get3A_204 = vector.shape_cast %get3A_203 : vector<1x4096x1xf32> to vector<4096x1xf32>
    %slice3A_205 = vector.extract_strided_slice %add3A_184 {offsets = [0, 16], sizes = [4096, 16], strides = [1, 1]} : vector<4096x48xf32> to vector<4096x16xf32>
    %mul3A_206 = vector.broadcast %get3A_204 : vector<4096x1xf32> to vector<4096x16xf32>
    %mul3A_207 = arith.mulf %mul3A_206, %slice3A_205 : vector<4096x16xf32>
    %add3A_208 = arith.addf %add3A_199, %mul3A_207 : vector<4096x16xf32>
    %get3A_209 = arith.constant 0 : index
    %get3A_210 = arith.constant 0 : index
    %get3A_211 = arith.constant 8 : index
    %get3A_212 = vector.load %arg4[%get3A_209, %get3A_210, %get3A_211] : memref<1x4096x9xf32, #tpu.memory_space<vmem>>, vector<1x4096x1xf32>
    %get3A_213 = vector.shape_cast %get3A_212 : vector<1x4096x1xf32> to vector<4096x1xf32>
    %slice3A_214 = vector.extract_strided_slice %add3A_184 {offsets = [0, 32], sizes = [4096, 16], strides = [1, 1]} : vector<4096x48xf32> to vector<4096x16xf32>
    %mul3A_215 = vector.broadcast %get3A_213 : vector<4096x1xf32> to vector<4096x16xf32>
    %mul3A_216 = arith.mulf %mul3A_215, %slice3A_214 : vector<4096x16xf32>
    %add3A_217 = arith.addf %add3A_208, %mul3A_216 : vector<4096x16xf32>
    %concatenate3A_218 = tpu.concatenate %transpose3A, %transpose3A, %transpose3A_9, %transpose3A_9, %transpose3A_15, %transpose3A_15 in 0 : vector<16x16xf32>, vector<16x16xf32>, vector<16x16xf32>, vector<16x16xf32>, vector<16x16xf32>, vector<16x16xf32> -> vector<96x16xf32>
    %iota3A_219 = tpu.iota {dimensions = array<i32: 1>} : vector<6x96xi32>
    %jit3A_220 = arith.constant 16 : i32
    %div3A_221 = vector.broadcast %jit3A_220 : i32 to vector<6x96xi32>
    %div3A_222 = arith.divsi %iota3A_219, %div3A_221 : vector<6x96xi32>
    %sign3A_223 = arith.constant 0 : i32
    %sign3A_224 = vector.broadcast %sign3A_223 : i32 to vector<6x96xi32>
    %sign3A_225 = arith.cmpi sgt, %iota3A_219, %sign3A_224 : vector<6x96xi32>
    %sign3A_226 = arith.extui %sign3A_225 : vector<6x96xi1> to vector<6x96xi32>
    %sign3A_227 = arith.constant 0 : i32
    %sign3A_228 = vector.broadcast %sign3A_227 : i32 to vector<6x96xi32>
    %sign3A_229 = arith.cmpi slt, %iota3A_219, %sign3A_228 : vector<6x96xi32>
    %sign3A_230 = arith.extui %sign3A_229 : vector<6x96xi1> to vector<6x96xi32>
    %sign3A_231 = arith.subi %sign3A_226, %sign3A_230 : vector<6x96xi32>
    %sign3A_232 = arith.constant 0 : i32
    %sign3A_233 = arith.cmpi sgt, %jit3A_220, %sign3A_232 : i32
    %sign3A_234 = arith.extui %sign3A_233 : i1 to i32
    %sign3A_235 = arith.constant 0 : i32
    %sign3A_236 = arith.cmpi slt, %jit3A_220, %sign3A_235 : i32
    %sign3A_237 = arith.extui %sign3A_236 : i1 to i32
    %sign3A_238 = arith.subi %sign3A_234, %sign3A_237 : i32
    %ne3A_239 = vector.broadcast %sign3A_238 : i32 to vector<6x96xi32>
    %ne3A_240 = arith.cmpi ne, %sign3A_231, %ne3A_239 : vector<6x96xi32>
    %rem3A_241 = vector.broadcast %jit3A_220 : i32 to vector<6x96xi32>
    %rem3A_242 = arith.remsi %iota3A_219, %rem3A_241 : vector<6x96xi32>
    %ne3A_243 = arith.constant 0 : i32
    %ne3A_244 = vector.broadcast %ne3A_243 : i32 to vector<6x96xi32>
    %ne3A_245 = arith.cmpi ne, %rem3A_242, %ne3A_244 : vector<6x96xi32>
    %and3A_246 = arith.andi %ne3A_240, %ne3A_245 : vector<6x96xi1>
    %sub3A_247 = arith.constant 1 : i32
    %sub3A_248 = vector.broadcast %sub3A_247 : i32 to vector<6x96xi32>
    %sub3A_249 = arith.subi %div3A_222, %sub3A_248 : vector<6x96xi32>
    %select_n3A_250 = arith.select %and3A_246, %sub3A_249, %div3A_222 : vector<6x96xi1>, vector<6x96xi32>
    %iota3A_251 = tpu.iota {dimensions = array<i32: 0>} : vector<6x96xi32>
    %jit3A_252 = arith.constant 2 : i32
    %eq3A_253 = arith.constant 0 : i32
    %eq3A_254 = arith.cmpi eq, %jit3A_252, %eq3A_253 : i32
    %jit3A_255 = arith.constant 1 : i32
    %select_n3A_256 = arith.select %eq3A_254, %jit3A_255, %jit3A_252 : i32
    %rem3A_257 = vector.broadcast %select_n3A_256 : i32 to vector<6x96xi32>
    %rem3A_258 = arith.remsi %select_n3A_250, %rem3A_257 : vector<6x96xi32>
    %ne3A_259 = arith.constant 0 : i32
    %ne3A_260 = vector.broadcast %ne3A_259 : i32 to vector<6x96xi32>
    %ne3A_261 = arith.cmpi ne, %rem3A_258, %ne3A_260 : vector<6x96xi32>
    %lt3A = arith.constant 0 : i32
    %lt3A_262 = vector.broadcast %lt3A : i32 to vector<6x96xi32>
    %lt3A_263 = arith.cmpi slt, %rem3A_258, %lt3A_262 : vector<6x96xi32>
    %lt3A_264 = arith.constant 0 : i32
    %lt3A_265 = arith.cmpi slt, %select_n3A_256, %lt3A_264 : i32
    %ne3A_266 = vector.broadcast %lt3A_265 : i1 to vector<6x96xi1>
    %ne3A_267 = vector.broadcast %ne3A_266 : vector<6x96xi1> to vector<6x96xi1>
    %ne3A_268 = arith.xori %lt3A_263, %ne3A_267 : vector<6x96xi1>
    %and3A_269 = arith.andi %ne3A_268, %ne3A_261 : vector<6x96xi1>
    %add3A_270 = vector.broadcast %select_n3A_256 : i32 to vector<6x96xi32>
    %add3A_271 = arith.addi %rem3A_258, %add3A_270 : vector<6x96xi32>
    %select_n3A_272 = arith.select %and3A_269, %add3A_271, %rem3A_258 : vector<6x96xi1>, vector<6x96xi32>
    %mul3A_273 = arith.constant 3 : i32
    %mul3A_274 = vector.broadcast %mul3A_273 : i32 to vector<6x96xi32>
    %mul3A_275 = arith.muli %select_n3A_272, %mul3A_274 : vector<6x96xi32>
    %jit3A_276 = arith.constant 2 : i32
    %div3A_277 = vector.broadcast %jit3A_276 : i32 to vector<6x96xi32>
    %div3A_278 = arith.divsi %select_n3A_250, %div3A_277 : vector<6x96xi32>
    %sign3A_279 = arith.constant 0 : i32
    %sign3A_280 = vector.broadcast %sign3A_279 : i32 to vector<6x96xi32>
    %sign3A_281 = arith.cmpi sgt, %select_n3A_250, %sign3A_280 : vector<6x96xi32>
    %sign3A_282 = arith.extui %sign3A_281 : vector<6x96xi1> to vector<6x96xi32>
    %sign3A_283 = arith.constant 0 : i32
    %sign3A_284 = vector.broadcast %sign3A_283 : i32 to vector<6x96xi32>
    %sign3A_285 = arith.cmpi slt, %select_n3A_250, %sign3A_284 : vector<6x96xi32>
    %sign3A_286 = arith.extui %sign3A_285 : vector<6x96xi1> to vector<6x96xi32>
    %sign3A_287 = arith.subi %sign3A_282, %sign3A_286 : vector<6x96xi32>
    %sign3A_288 = arith.constant 0 : i32
    %sign3A_289 = arith.cmpi sgt, %jit3A_276, %sign3A_288 : i32
    %sign3A_290 = arith.extui %sign3A_289 : i1 to i32
    %sign3A_291 = arith.constant 0 : i32
    %sign3A_292 = arith.cmpi slt, %jit3A_276, %sign3A_291 : i32
    %sign3A_293 = arith.extui %sign3A_292 : i1 to i32
    %sign3A_294 = arith.subi %sign3A_290, %sign3A_293 : i32
    %ne3A_295 = vector.broadcast %sign3A_294 : i32 to vector<6x96xi32>
    %ne3A_296 = arith.cmpi ne, %sign3A_287, %ne3A_295 : vector<6x96xi32>
    %rem3A_297 = vector.broadcast %jit3A_276 : i32 to vector<6x96xi32>
    %rem3A_298 = arith.remsi %select_n3A_250, %rem3A_297 : vector<6x96xi32>
    %ne3A_299 = arith.constant 0 : i32
    %ne3A_300 = vector.broadcast %ne3A_299 : i32 to vector<6x96xi32>
    %ne3A_301 = arith.cmpi ne, %rem3A_298, %ne3A_300 : vector<6x96xi32>
    %and3A_302 = arith.andi %ne3A_296, %ne3A_301 : vector<6x96xi1>
    %sub3A_303 = arith.constant 1 : i32
    %sub3A_304 = vector.broadcast %sub3A_303 : i32 to vector<6x96xi32>
    %sub3A_305 = arith.subi %div3A_278, %sub3A_304 : vector<6x96xi32>
    %select_n3A_306 = arith.select %and3A_302, %sub3A_305, %div3A_278 : vector<6x96xi1>, vector<6x96xi32>
    %add3A_307 = arith.addi %mul3A_275, %select_n3A_306 : vector<6x96xi32>
    %eq3A_308 = arith.cmpi eq, %add3A_307, %iota3A_251 : vector<6x96xi32>
    %convert_element_type3A_309 = arith.extui %eq3A_308 : vector<6x96xi1> to vector<6x96xi32>
    %convert_element_type3A_310 = arith.sitofp %convert_element_type3A_309 : vector<6x96xi32> to vector<6x96xf32>
    %get3A_311 = arith.constant 0 : index
    %get3A_312 = arith.constant 0 : index
    %get3A_313 = arith.constant 0 : index
    %get3A_314 = vector.load %arg4[%get3A_311, %get3A_312, %get3A_313] : memref<1x4096x9xf32, #tpu.memory_space<vmem>>, vector<1x4096x6xf32>
    %get3A_315 = vector.shape_cast %get3A_314 : vector<1x4096x6xf32> to vector<4096x6xf32>
    %dot_general3A_316 = arith.constant dense<0.000000e+00> : vector<4096x96xf32>
    %dot_general3A_317 = tpu.matmul %get3A_315, %convert_element_type3A_310, %dot_general3A_316 {dimension_numbers = #tpu.dot_dimension_numbers<[1], [0], [0], [1], [0, 0, 1, 1], [], []>, transpose_lhs_hint = false} : vector<4096x6xf32>, vector<6x96xf32>, vector<4096x96xf32> -> vector<4096x96xf32>
    %get3A_318 = arith.constant 0 : index
    %get3A_319 = arith.constant 0 : index
    %get3A_320 = arith.constant 0 : index
    %get3A_321 = vector.load %arg6[%get3A_318, %get3A_319, %get3A_320] : memref<1x4096x96xf32, #tpu.memory_space<vmem>>, vector<1x4096x96xf32>
    %get3A_322 = vector.shape_cast %get3A_321 : vector<1x4096x96xf32> to vector<4096x96xf32>
    %mul3A_323 = arith.mulf %dot_general3A_317, %get3A_322 : vector<4096x96xf32>
    %dot_general3A_324 = arith.constant dense<0.000000e+00> : vector<4096x16xf32>
    %dot_general3A_325 = tpu.matmul %mul3A_323, %concatenate3A_218, %dot_general3A_324 {dimension_numbers = #tpu.dot_dimension_numbers<[1], [0], [0], [1], [0, 0, 1, 1], [], []>, transpose_lhs_hint = false} : vector<4096x96xf32>, vector<96x16xf32>, vector<4096x16xf32> -> vector<4096x16xf32>
    %add3A_326 = arith.addf %dot_general3A_325, %add3A_217 : vector<4096x16xf32>
    %transpose3A_327 = tpu.transpose %add3A_326, [1, 0] : vector<4096x16xf32> -> vector<16x4096xf32>
    %swap3A = arith.constant 0 : index
    %swap3A_328 = arith.constant 0 : index
    %swap3A_329 = arith.constant 0 : index
    %swap3A_330 = vector.load %arg7[%swap3A, %swap3A_328, %swap3A_329] : memref<1x16x4096xf32, #tpu.memory_space<vmem>>, vector<1x16x4096xf32>
    %swap3A_331 = vector.shape_cast %swap3A_330 : vector<1x16x4096xf32> to vector<16x4096xf32>
    %swap3A_332 = vector.shape_cast %transpose3A_327 : vector<16x4096xf32> to vector<1x16x4096xf32>
    tpu.vector_store %arg7[%swap3A, %swap3A_328, %swap3A_329], %swap3A_332 {strides = array<i32>} : memref<1x16x4096xf32, #tpu.memory_space<vmem>>, vector<1x16x4096xf32>,
    return
  }
  func.func @transform_0(%arg0: i32) -> (i32, i32, i32) {
    %c0_i32 = arith.constant 0 : i32
    %c0_i32_0 = arith.constant 0 : i32
    %c0_i32_1 = arith.constant 0 : i32
    return %arg0, %c0_i32, %c0_i32_0 : i32, i32, i32
  }
  func.func @transform_1(%arg0: i32) -> (i32, i32, i32) {
    %c0_i32 = arith.constant 0 : i32
    %c0_i32_0 = arith.constant 0 : i32
    %c0_i32_1 = arith.constant 0 : i32
    %c0_i32_2 = arith.constant 0 : i32
    return %c0_i32, %c0_i32_0, %c0_i32_1 : i32, i32, i32
  }
  func.func @transform_2(%arg0: i32) -> (i32, i32, i32) {
    %c0_i32 = arith.constant 0 : i32
    %c0_i32_0 = arith.constant 0 : i32
    %c0_i32_1 = arith.constant 0 : i32
    %c0_i32_2 = arith.constant 0 : i32
    return %c0_i32, %c0_i32_0, %c0_i32_1 : i32, i32, i32
  }
  func.func @transform_3(%arg0: i32) -> (i32, i32, i32) {
    %c0_i32 = arith.constant 0 : i32
    %c0_i32_0 = arith.constant 0 : i32
    %c0_i32_1 = arith.constant 0 : i32
    return %arg0, %c0_i32, %c0_i32_0 : i32, i32, i32
  }
  func.func @transform_4(%arg0: i32) -> (i32, i32, i32) {
    %c0_i32 = arith.constant 0 : i32
    %c0_i32_0 = arith.constant 0 : i32
    %c0_i32_1 = arith.constant 0 : i32
    %c0_i32_2 = arith.constant 0 : i32
    return %c0_i32, %c0_i32_0, %c0_i32_1 : i32, i32, i32
  }
  func.func @transform_5(%arg0: i32) -> (i32, i32, i32) {
    %c0_i32 = arith.constant 0 : i32
    %c0_i32_0 = arith.constant 0 : i32
    %c0_i32_1 = arith.constant 0 : i32
    return %arg0, %c0_i32, %c0_i32_0 : i32, i32, i32
  }
  func.func @transform_6(%arg0: i32) -> (i32, i32, i32) {
    %c0_i32 = arith.constant 0 : i32
    %c0_i32_0 = arith.constant 0 : i32
    %c0_i32_1 = arith.constant 0 : i32
    return %arg0, %c0_i32, %c0_i32_0 : i32, i32, i32
  }
}

</mosaic_0001>

<sc_bundles>
// kernel: kernel.5.cloned.1.call-start
scs
__scs_entry_jumppad:
0x0: {  	(pc) =	sbr.rel $0x88, $3  }
0x1: {  	(tag) =	ssettag $0x0;
	lr =	simm.s32 $0x1  }
0x2: {  	[smem:$0x3F9B] =	sst lr;
	_ =	strace $0xD0000000  }
0x3: {  	_ = 	snop  }
0x4: {  	_ = 	snop  }
0x5: {  	_ = 	snop  }
0x6: {  	_ = 	snop  }
0x7: {  	_ = 	snop  }
__scs_overlays_trampoline_lowered:
0x8: {  	[smem:$0x3FAA] =	sst s0  }
0x9: {  	[smem:$0x3FAB] =	sst s1  }
0xa: {  	[smem:$0x3FAC] =	sst s2  }
0xb: {  	[smem:$0x3FAD] =	sst s3  }
0xc: {  	[smem:$0x3FAE] =	sst s4  }
0xd: {  	[smem:$0x3FAF] =	sst s5  }
0xe: {  	[smem:$0x3FB0] =	sst s6  }
0xf: {  	[smem:$0x3FB1] =	sst s7  }
0x10: {  	[smem:$0x3FB2] =	sst s8  }
0x11: {  	[smem:$0x3FB3] =	sst s9;
	s0 =	simm.s32 @!p0 $0x0  }
0x12: {  	s1 =	sld [smem:$0x3F99];
	s0 =	simm.s32 @p0 $0x1  }
0x13: {  	[smem:$0x3FB4] =	sst s0;
	s0 =	simm.s32 @!p1 $0x0  }
0x14: {  	s2 =	sld [smem:$0x3F98];
	s0 =	simm.s32 @p1 $0x1  }
0x15: {  	[smem:$0x3FB5] =	sst s0;
	s0 =	simm.s32 @!p2 $0x0  }
0x16: {  	s3 =	sld [smem:$0x3FDB];
	s0 =	simm.s32 @p2 $0x1  }
0x17: {  	s4 =	simm.s32 $0x1BF5;
	[smem:$0x3FB7] =	sst s0  }
0x18: {  	s0 =	sld [smem:$0x3F9A];
	_ =	swait.ge [sflag:s4], $0x0  }
0x19: {  	s7 =	sld [smem:$0x3F9B]  }
0x1a: {  	s8 =	sadd.s32 $0xFFFFE003, lr  }
0x1b: {  	s9 =	sadd.s32 $0xFFFFFEF7, lr;
	s5 =	simm.s32 $0xFFFFFFFF;
	p2 =	slt.u32 s8, $0xFFFFF086  }
0x1c: {  	p1 =	slt.u32 s9, $0xF7A;
	s5 =	simm.s32 @!p2 $0x0  }
0x1d: {  	s5 =	simm.s32 @p1 $0x1;
	p0 =	seq.s32 s7, s2  }
0x1e: {  	s7 =	smul.u32 @!p0 $0xF7A, s2;
	p2 =	seq.s32 @!p0 s5, $0x0  }
0x1f: {  	s9 =	smul.u32 $0xF7A, s1;
	s8 =	simm.s32 @!p0 $0x1BF5;
	p2 =	por !p2, p0  }
0x20: {  	[sflag:s8] =	ssyncset.s32 @!p0 $0xFFFFF086;
	s6 =	sadd.s32 @!p0 s3, s7;
	s7 =	simm.s32 @!p0 $0x108  }
0x21: {  	s3 =	sadd.s32 s3, s9;
	s6 =	sadd.s32 @!p0 $0x88, s6;
	s7 =	simm.s32 @p2 $0x1082  }
0x22: {  	[simem:s7], [sflag:s8] =	dma.local @!p0 [hbm:s6], $0xF7A  }
0x23: {  	s9 =	sor.u32 $0xD0000000, s2;
	s6 =	simm.s32 $0x108;
	_ =	swait.ge @!p0 [sflag:s8], $0x0  }
0x24: {  	s3 =	sadd.s32 $0x88, s3;
	s6 =	simm.s32 @!p1 $0x1082;
	[sflag:s4] =	ssyncset.s32 $0xFFFFF086  }
0x25: {  	[simem:s6], [sflag:s4] =	dma.local [hbm:s3], $0xF7A  }
0x26: {  	[smem:$0x3F9B] =	sst s1;
	(tag) =	ssettag s2;
	_ =	strace s9  }
0x27: {  	s1 =	sld [smem:$0x3FAB]  }
0x28: {  	s2 =	sld [smem:$0x3FAC]  }
0x29: {  	s4 =	sld [smem:$0x3FAE]  }
0x2a: {  	p0 =	seq.s32 s5, $0x0;
	s5 =	sld [smem:$0x3FAF]  }
0x2b: {  	s6 =	sld [smem:$0x3FB0]  }
0x2c: {  	s7 =	sld [smem:$0x3FB1]  }
0x2d: {  	s3 =	simm.s32 $0x108;
	s8 =	sld [smem:$0x3FB2]  }
0x2e: {  	s3 =	simm.s32 @!p0 $0x1082;
	s9 =	sld [smem:$0x3FB3]  }
0x2f: {  	lr =	sadd.s32 s0, s3;
	s0 =	sld [smem:$0x3FAA]  }
0x30: {  	s3 =	sld [smem:$0x3FAD]  }
0x31: {  	[smem:$0x3FB6] =	sst s10  }
0x32: {  	s10 =	sld [smem:$0x3FB4];
	_ =	sdelay $0x3  }
0x33: {  	p0 =	seq.s32 s10, $0x1;
	s10 =	sld [smem:$0x3FB6];
	_ =	sdelay $0x3  }
0x34: {  	[smem:$0x3FB6] =	sst s10  }
0x35: {  	s10 =	sld [smem:$0x3FB5];
	_ =	sdelay $0x3  }
0x36: {  	p1 =	seq.s32 s10, $0x1;
	s10 =	sld [smem:$0x3FB6];
	_ =	sdelay $0x3  }
0x37: {  	[smem:$0x3FB6] =	sst s10  }
0x38: {  	s10 =	sld [smem:$0x3FB7]  }
0x39: {  	_ = 	snop;
	(pc) =	sbr.ind lr, $3  }
0x3a: {  	_ = 	snop  }
0x3b: {  	_ = 	snop  }
0x3c: {  	p2 =	seq.s32 s10, $0x1;
	s10 =	sld [smem:$0x3FB6]  }
0x3d: {  	_ =	shalt  }
0x3e: {  	_ =	shalt  }
0x3f: {  	_ =	shalt  }
0x40: {  	_ =	shalt  }
0x41: {  	_ =	shalt  }
0x42: {  	_ =	shalt  }
0x43: {  	_ =	shalt  }
0x44: {  	_ =	shalt  }
0x45: {  	_ =	shalt  }
0x46: {  	_ =	shalt  }
0x47: {  	_ =	shalt  }
0x48: {  	_ =	shalt  }
0x49: {  	_ =	shalt  }
0x4a: {  	_ =	shalt  }
0x4b: {  	_ =	shalt  }
0x4c: {  	_ =	shalt  }
0x4d: {  	_ =	shalt  }
0x4e: {  	_ =	shalt  }
0x4f: {  	_ =	shalt  }
0x50: {  	_ =	shalt  }
0x51: {  	_ =	shalt  }
0x52: {  	_ =	shalt  }
0x53: {  	_ =	shalt  }
0x54: {  	_ =	shalt  }
0x55: {  	_ =	shalt  }
0x56: {  	_ =	shalt  }
0x57: {  	_ =	shalt  }
0x58: {  	_ =	shalt  }
0x59: {  	_ =	shalt  }
0x5a: {  	_ =	shalt  }
0x5b: {  	_ =	shalt  }
0x5c: {  	_ =	shalt  }
0x5d: {  	_ =	shalt  }
0x5e: {  	_ =	shalt  }
0x5f: {  	_ =	shalt  }
0x60: {  	_ =	shalt  }
0x61: {  	_ =	shalt  }
0x62: {  	_ =	shalt  }
0x63: {  	_ =	shalt  }
0x64: {  	_ =	shalt  }
0x65: {  	_ =	shalt  }
0x66: {  	_ =	shalt  }
0x67: {  	_ =	shalt  }
0x68: {  	_ =	shalt  }
0x69: {  	_ =	shalt  }
0x6a: {  	_ =	shalt  }
0x6b: {  	_ =	shalt  }
0x6c: {  	_ =	shalt  }
0x6d: {  	_ =	shalt  }
0x6e: {  	_ =	shalt  }
0x6f: {  	_ =	shalt  }
0x70: {  	_ =	shalt  }
0x71: {  	_ =	shalt  }
0x72: {  	_ =	shalt  }
0x73: {  	_ =	shalt  }
0x74: {  	_ =	shalt  }
0x75: {  	_ =	shalt  }
0x76: {  	_ =	shalt  }
0x77: {  	_ =	shalt  }
0x78: {  	_ =	shalt  }
0x79: {  	_ =	shalt  }
0x7a: {  	_ =	shalt  }
0x7b: {  	_ =	shalt  }
0x7c: {  	_ =	shalt  }
0x7d: {  	_ =	shalt  }
0x7e: {  	_ =	shalt  }
0x7f: {  	_ =	shalt  }
0x80: {  	_ =	shalt  }
0x81: {  	_ =	shalt  }
0x82: {  	_ =	shalt  }
0x83: {  	_ =	shalt  }
0x84: {  	_ =	shalt  }
0x85: {  	_ =	shalt  }
0x86: {  	_ =	shalt  }
0x87: {  	_ =	shalt  }
.Lfunc_end0:
.L_simem_size_0:
called_computation_lowered:
.L_overlay_start_0:
0x88: {  	s2 =	sld [smem:$0x3FD9]  }
0x89: {  	s3 =	sld [smem:$0x3FFE];
	_ =	sdelay $0x1  }
0x8a: {  	s1 =	srdreg.scid  }
0x8b: {  	s0 =	sand.u32 $0x1, s1  }
0x8c: {  	s17 =	sshll.u32 s0, $0xA;
	s2 =	sadd.s32 s3, s2  }
0x8d: {  	s2 =	sadd.s32 s2, s17  }
0x8e: {  	[smem:$0x3FC2] =	sst s2  }
0x8f: {  	_ = 	snop  }
0x90: {  	s2 =	sld [smem:$0x3FD0];
	(tm) =	ssettm $0x1  }
0x91: {  	s18 =	sld [smem:$0x3FFB];
	_ =	sdelay $0x3  }
0x92: {  	_ =	strace s18  }
0x93: {  	s3 =	sld [smem:$0x3FFC];
	_ =	sdelay $0x3  }
0x94: {  	_ =	strace s3  }
0x95: {  	s3 =	sld [smem:$0x3FFD];
	_ =	sdelay $0x3  }
0x96: {  	_ =	strace s3  }
0x97: {  	_ =	strace $0x8FFFFFFF  }
0x98: {  	s19 =	sld [smem:$0x3FDB];
	_ =	sdelay $0x1  }
0x99: {  	s4 =	simm.s32 $_scs_section_size  }
0x9a: {  	s5 =	simm.s32 $_size__tile_overlayer_lowered;
	s6 =	simm.s32 $_tile_overlayer_lowered  }
0x9b: {  	s22 =	simm.s32 $0x1BFF;
	s21 =	sshll.u32 s6, $0x1;
	s3 =	sadd.s32 s4, s19  }
0x9c: {  	s7 =	simm.s32 $0x0;
	s20 =	sshll.u32 s5, $0x1;
	s5 =	sadd.s32 s21, s3  }
0x9d: {  	[timem:s7], [sflag:s22] =	dma.local [hbm:s5], s20  }
0x9e: {  	_ =	swait.ge [sflag:s22], s20  }
0x9f: {  	s4 =	ssub.s32 $0x0, s20;
	[sflag:s22] =	ssyncset.done $0x0  }
0xa0: {  	[sflag:s22] =	ssyncadd.s32 s4;
	_ =	sdelay $0x1  }
0xa1: {  	s23 =	simm.s32 $0x1B8B  }
0xa2: {  	_ =	swait.ge [sflag:s23], $0x1  }
0xa3: {  	[sflag:s23] =	ssyncset.done $0x0  }
0xa4: {  	s25 =	simm.s32 $0x1B8E;
	s24 =	sld [smem:$0x3FFE];
	[sflag:s23] =	ssyncadd.s32 $0xFFFFFFFF  }
0xa5: {  	s26 =	simm.s32 $execute0_lowered;
	[smem:$0x3FD2] =	sst s25  }
0xa6: {  	s5 =	sshll.u32 s26, $0x1;
	_ =	strace $0x80000046;
	[dreg:$0x1] =	wrdreg $0xFFFFFFFF  }
0xa7: {  	s28 =	simm.s32 $_size_execute0_lowered;
	s3 =	sadd.s32 s3, s5;
	[dreg:$0x0] =	wrdreg $0x0  }
0xa8: {  	s5 =	sshll.u32 s28, $0x1;
	[dreg:$0x2] =	wrdreg s3  }
0xa9: {  	[dreg:$0x3] =	wrdreg s5  }
0xaa: {  	[dreg:$0x4] =	wrdreg $0xC0  }
0xab: {  	_ =	task [dreg:s7], $0x5FFFF  }
0xac: {  	[dreg:$0x1] =	wrdreg $0xFFFFFFFF  }
0xad: {  	[dreg:$0x0] =	wrdreg $0x60  }
0xae: {  	[dreg:$0x2] =	wrdreg s2  }
0xaf: {  	[dreg:$0x3] =	wrdreg s24  }
0xb0: {  	[dreg:$0x4] =	wrdreg $0x9  }
0xb1: {  	_ =	task.clear_ibuf [dreg:s7], $0x5FFFF;
	_ =	strace $0x90000046  }
0xb2: {  	s29 =	simm.s32 $0x9;
	_ =	strace $0x80000048  }
0xb3: {  	_ =	swait.ge [sflag:s29], $0x1  }
0xb4: {  	[sflag:s29] =	ssyncadd.s32 $0xFFFFFFFF  }
0xb5: {  	_ =	strace $0x90000048  }
0xb6: {  	_ =	sfence  }
0xb7: {  	s30 =	sld [smem:$0x0];
	_ =	sdelay $0x2  }
0xb8: {  	s31 =	sshll.u32 s1, $0xD;
	s1 =	sshrl.u32 s1, $0x2  }
0xb9: {  	s3 =	sand.u32 $0x4000, s31;
	s1 =	sadd.s32 s1, s30  }
0xba: {  	s0 =	sor.u32 s3, s0;
	s1 =	sshll.u32 s1, $0x11  }
0xbb: {  	s0 =	sor.u32 s1, s0  }
0xbc: {  	s0 =	sadd.s32 $0x8F2B, s0  }
0xbd: {  	[sflag:s0] =	ssyncadd.remote.s32 $0x1  }
0xbe: {  	_ =	sfence.sel $0xFFFF  }
0xbf: {  	[dreg:$0x0] =	wrdreg $0xFFFFFFFF;
	(pc) =	sbr.abs _section_cstart, $3  }
0xc0: {  	[dreg:$0x1] =	wrdreg $0xFFFFFFFF  }
0xc1: {  	_ =	task.clear_ibuf [dreg:s7], $0x2FFFF;
	_ =	strace $0x9FFFFFFF  }
0xc2: {  	(tm) =	ssettm $0x7FFFFFFF  }
0xc3: {  	_ =	shalt  }
tec
execute0_lowered:
.L_overlay_start_1:
0x0: {  	(tag) =	ssettag $0x1  }
0x1: {  	s1 =	srdreg.scid  }
0x2: {  	s0 =	stileid.u32;
	s3 =	rddreg [dreg:$0x0]  }
0x3: {  	s4 =	rddreg [dreg:$0x1];
	s8 =	simm.s32 $0x80;
	s9 =	simm.s32 $0x1600  }
0x4: {  	s10 =	simm.s32 $0x100;
	s11 =	simm.s32 $0x2600;
	s12 =	simm.s32 $0x180  }
0x5: {  	s13 =	simm.s32 $0x3600;
	s14 =	simm.s32 $0x200;
	s15 =	simm.s32 $0x4600  }
0x6: {  	s16 =	simm.s32 $0x280;
	s17 =	simm.s32 $0x5600;
	s18 =	simm.s32 $0x300  }
0x7: {  	s19 =	simm.s32 $0x6600;
	s20 =	simm.s32 $0x380;
	s21 =	simm.s32 $0x7600  }
0x8: {  	s22 =	simm.s32 $0x400;
	s1 =	sand.u32 $0x1, s1;
	s2 =	sshll.u32 s0, $0x1  }
0x9: {  	s23 =	simm.s32 $0x8600;
	s5 =	sor.u32 s1, s2;
	s1 =	ssub.s32 $0x2, s1  }
0xa: {  	s24 =	simm.s32 $0x480;
	s25 =	simm.s32 $0x9600;
	s26 =	sshrl.u32 s1, $0x1  }
0xb: {  	p0 =	por $0x0, $0x0;
	s28 =	simm.s32 $0xA600;
	s1 =	ssub.s32 s1, s26  }
0xc: {  	s29 =	simm.s32 $0x580;
	s7 =	smul.u32 $0x1800, s5;
	s1 =	smax.u32 s1, $0x1  }
0xd: {  	s2 =	simm.s32 $0x0;
	s5 =	smul.u32 $0xC0, s5;
	p1 =	sne.s32 s1, $0x1  }
.Ltmp0:
0xe: {  	s30 =	simm.s32 $0xB600;
	[smem:$0x7FF] =	sst s2;
	(pc) =	sbr.rel @!p1 .LBB2_3-.Ltmp0, $4  }
0xf: {  	s6 =	sadd.s32 $0x41000, s4;
	_ =	strace $0x80000047;
	s26 =	simm.s32 $0x500  }
0x10: {  	s4 =	sadd.s32 s7, s4;
	s3 =	sadd.s32 s3, s5;
	s5 =	simm.s32 $0x600  }
0x11: {  	s7 =	simm.s32 $0x1;
	[dreg:$0x3] =	wrdreg s3;
	s4 =	sadd.s32 $0x51200, s4  }
0x12: {  	s3 =	simm.s32 $0x2;
	s31 =	sadd.s32 $0xFFFFFFFF, s1;
	s1 =	rddreg [dreg:$0x3]  }
0x13: {  	[tilespmem:s2], [sflag:$0x2] =	stream.linear.gather [hbm4b:s1+s2], $0x600, $0x38;
	[tilespmem:$0xC600] =	vst v63  }
0x14: {  	_ =	swait.ge [sflag:s3], $0x600  }
0x15: {  	[sflag:s3] =	ssyncset.done $0x0  }
0x16: {  	[sflag:s3] =	ssyncadd.s32 $0xFFFFFA00  }
0x17: {  	[tilespmem:s5], [sflag:$0x1] =	stream.indirect.gather [hbm4b:s6+s8], $0x20, s2, s8, $0xb8;
	[tilespmem:$0xC600] =	vst v63  }
0x18: {  	_ = 	snop  }
0x19: {  	[tilespmem:s9], [sflag:$0x1] =	stream.indirect.gather [hbm4b:s6+s8], $0x20, s8, s8, $0xb8;
	[tilespmem:$0xC600] =	vst v63  }
0x1a: {  	_ = 	snop  }
0x1b: {  	[tilespmem:s11], [sflag:$0x1] =	stream.indirect.gather [hbm4b:s6+s8], $0x20, s10, s8, $0xb8;
	[tilespmem:$0xC600] =	vst v63  }
0x1c: {  	_ = 	snop  }
0x1d: {  	[tilespmem:s13], [sflag:$0x1] =	stream.indirect.gather [hbm4b:s6+s8], $0x20, s12, s8, $0xb8;
	[tilespmem:$0xC600] =	vst v63  }
0x1e: {  	_ = 	snop  }
0x1f: {  	[tilespmem:s15], [sflag:$0x1] =	stream.indirect.gather [hbm4b:s6+s8], $0x20, s14, s8, $0xb8;
	[tilespmem:$0xC600] =	vst v63  }
0x20: {  	_ = 	snop  }
0x21: {  	[tilespmem:s17], [sflag:$0x1] =	stream.indirect.gather [hbm4b:s6+s8], $0x20, s16, s8, $0xb8;
	[tilespmem:$0xC600] =	vst v63  }
0x22: {  	_ = 	snop  }
0x23: {  	[tilespmem:s19], [sflag:$0x1] =	stream.indirect.gather [hbm4b:s6+s8], $0x20, s18, s8, $0xb8;
	[tilespmem:$0xC600] =	vst v63  }
0x24: {  	_ = 	snop  }
0x25: {  	[tilespmem:s21], [sflag:$0x1] =	stream.indirect.gather [hbm4b:s6+s8], $0x20, s20, s8, $0xb8;
	[tilespmem:$0xC600] =	vst v63  }
0x26: {  	_ = 	snop  }
0x27: {  	[tilespmem:s23], [sflag:$0x1] =	stream.indirect.gather [hbm4b:s6+s8], $0x20, s22, s8, $0xb8;
	[tilespmem:$0xC600] =	vst v63  }
0x28: {  	_ = 	snop  }
0x29: {  	[tilespmem:s25], [sflag:$0x1] =	stream.indirect.gather [hbm4b:s6+s8], $0x20, s24, s8, $0xb8;
	[tilespmem:$0xC600] =	vst v63  }
0x2a: {  	_ = 	snop  }
0x2b: {  	[tilespmem:s28], [sflag:$0x1] =	stream.indirect.gather [hbm4b:s6+s8], $0x20, s26, s8, $0xb8;
	[tilespmem:$0xC600] =	vst v63  }
0x2c: {  	_ = 	snop  }
0x2d: {  	[tilespmem:s30], [sflag:$0x1] =	stream.indirect.gather [hbm4b:s6+s8], $0x20, s29, s8, $0xb8;
	[tilespmem:$0xC600] =	vst v63  }
0x2e: {  	_ =	swait.ge [sflag:s7], $0x1000  }
0x2f: {  	[sflag:s7] =	ssyncset.done $0x0  }
0x30: {  	[sflag:s7] =	ssyncadd.s32 $0xFFFFF000  }
0x31: {  	_ =	swait.ge [sflag:s7], $0x1000  }
0x32: {  	[sflag:s7] =	ssyncset.done $0x0  }
0x33: {  	[sflag:s7] =	ssyncadd.s32 $0xFFFFF000  }
0x34: {  	_ =	swait.ge [sflag:s7], $0x1000  }
0x35: {  	[sflag:s7] =	ssyncset.done $0x0  }
0x36: {  	[sflag:s7] =	ssyncadd.s32 $0xFFFFF000  }
0x37: {  	_ =	swait.ge [sflag:s7], $0x1000  }
0x38: {  	[sflag:s7] =	ssyncset.done $0x0  }
0x39: {  	[sflag:s7] =	ssyncadd.s32 $0xFFFFF000  }
0x3a: {  	_ =	swait.ge [sflag:s7], $0x1000  }
0x3b: {  	[sflag:s7] =	ssyncset.done $0x0  }
0x3c: {  	[sflag:s7] =	ssyncadd.s32 $0xFFFFF000  }
0x3d: {  	_ =	swait.ge [sflag:s7], $0x1000  }
0x3e: {  	[sflag:s7] =	ssyncset.done $0x0  }
0x3f: {  	[sflag:s7] =	ssyncadd.s32 $0xFFFFF000  }
0x40: {  	_ =	swait.ge [sflag:s7], $0x1000  }
0x41: {  	[sflag:s7] =	ssyncset.done $0x0  }
0x42: {  	[sflag:s7] =	ssyncadd.s32 $0xFFFFF000  }
0x43: {  	_ =	swait.ge [sflag:s7], $0x1000  }
0x44: {  	[sflag:s7] =	ssyncset.done $0x0  }
0x45: {  	[sflag:s7] =	ssyncadd.s32 $0xFFFFF000  }
0x46: {  	_ =	swait.ge [sflag:s7], $0x1000  }
0x47: {  	[sflag:s7] =	ssyncset.done $0x0  }
0x48: {  	[sflag:s7] =	ssyncadd.s32 $0xFFFFF000  }
0x49: {  	_ =	swait.ge [sflag:s7], $0x1000  }
0x4a: {  	[sflag:s7] =	ssyncset.done $0x0  }
0x4b: {  	[sflag:s7] =	ssyncadd.s32 $0xFFFFF000  }
0x4c: {  	_ =	swait.ge [sflag:s7], $0x1000  }
0x4d: {  	[sflag:s7] =	ssyncset.done $0x0  }
0x4e: {  	[sflag:s7] =	ssyncadd.s32 $0xFFFFF000  }
0x4f: {  	p1 =	sne.s32 s31, $0x1;
	_ =	swait.ge [sflag:s7], $0x1000  }
.Ltmp1:
0x50: {  	[sflag:s7] =	ssyncset.done $0x0;
	(pc) =	sbr.rel @!p1 .LBB2_3-.Ltmp1, $4  }
0x51: {  	[sflag:s7] =	ssyncadd.s32 $0xFFFFF000  }
0x52: {  	[hbm4b:s4+s2] =	stream.linear.scatter [tilespmem:s5], [sflag:$0x2], $0xC000, $0x38;
	[tilespmem:$0xC600] =	vst v63  }
0x53: {  	s31 =	sadd.s32 $0xFFFFFFFF, s31;
	_ =	swait.ge [sflag:s3], $0xC000  }
0x54: {  	p0 =	por $0x1, $0x1;
	s1 =	rddreg [dreg:$0x3];
	[sflag:s3] =	ssyncset.done $0x0  }
.LBB2_2:
0x55: {  	[sflag:s3] =	ssyncadd.s32 $0xFFFF4000  }
0x56: {  	[tilespmem:s2], [sflag:$0x2] =	stream.linear.gather [hbm4b:s1+s2], $0x600, $0x38;
	[tilespmem:$0xC600] =	vst v63  }
0x57: {  	_ =	swait.ge [sflag:s3], $0x600  }
0x58: {  	[sflag:s3] =	ssyncset.done $0x0  }
0x59: {  	[sflag:s3] =	ssyncadd.s32 $0xFFFFFA00  }
0x5a: {  	[tilespmem:s5], [sflag:$0x1] =	stream.indirect.gather [hbm4b:s6+s8], $0x20, s2, s8, $0xb8;
	[tilespmem:$0xC600] =	vst v63  }
0x5b: {  	_ = 	snop  }
0x5c: {  	[tilespmem:s9], [sflag:$0x1] =	stream.indirect.gather [hbm4b:s6+s8], $0x20, s8, s8, $0xb8;
	[tilespmem:$0xC600] =	vst v63  }
0x5d: {  	_ = 	snop  }
0x5e: {  	[tilespmem:s11], [sflag:$0x1] =	stream.indirect.gather [hbm4b:s6+s8], $0x20, s10, s8, $0xb8;
	[tilespmem:$0xC600] =	vst v63  }
0x5f: {  	_ = 	snop  }
0x60: {  	[tilespmem:s13], [sflag:$0x1] =	stream.indirect.gather [hbm4b:s6+s8], $0x20, s12, s8, $0xb8;
	[tilespmem:$0xC600] =	vst v63  }
0x61: {  	_ = 	snop  }
0x62: {  	[tilespmem:s15], [sflag:$0x1] =	stream.indirect.gather [hbm4b:s6+s8], $0x20, s14, s8, $0xb8;
	[tilespmem:$0xC600] =	vst v63  }
0x63: {  	_ = 	snop  }
0x64: {  	[tilespmem:s17], [sflag:$0x1] =	stream.indirect.gather [hbm4b:s6+s8], $0x20, s16, s8, $0xb8;
	[tilespmem:$0xC600] =	vst v63  }
0x65: {  	_ = 	snop  }
0x66: {  	[tilespmem:s19], [sflag:$0x1] =	stream.indirect.gather [hbm4b:s6+s8], $0x20, s18, s8, $0xb8;
	[tilespmem:$0xC600] =	vst v63  }
0x67: {  	_ = 	snop  }
0x68: {  	[tilespmem:s21], [sflag:$0x1] =	stream.indirect.gather [hbm4b:s6+s8], $0x20, s20, s8, $0xb8;
	[tilespmem:$0xC600] =	vst v63  }
0x69: {  	_ = 	snop  }
0x6a: {  	[tilespmem:s23], [sflag:$0x1] =	stream.indirect.gather [hbm4b:s6+s8], $0x20, s22, s8, $0xb8;
	[tilespmem:$0xC600] =	vst v63  }
0x6b: {  	_ = 	snop  }
0x6c: {  	[tilespmem:s25], [sflag:$0x1] =	stream.indirect.gather [hbm4b:s6+s8], $0x20, s24, s8, $0xb8;
	[tilespmem:$0xC600] =	vst v63  }
0x6d: {  	_ = 	snop  }
0x6e: {  	[tilespmem:s28], [sflag:$0x1] =	stream.indirect.gather [hbm4b:s6+s8], $0x20, s26, s8, $0xb8;
	[tilespmem:$0xC600] =	vst v63  }
0x6f: {  	_ = 	snop  }
0x70: {  	[tilespmem:s30], [sflag:$0x1] =	stream.indirect.gather [hbm4b:s6+s8], $0x20, s29, s8, $0xb8;
	[tilespmem:$0xC600] =	vst v63  }
0x71: {  	_ =	swait.ge [sflag:s7], $0x1000  }
0x72: {  	[sflag:s7] =	ssyncset.done $0x0  }
0x73: {  	[sflag:s7] =	ssyncadd.s32 $0xFFFFF000  }
0x74: {  	_ =	swait.ge [sflag:s7], $0x1000  }
0x75: {  	[sflag:s7] =	ssyncset.done $0x0  }
0x76: {  	[sflag:s7] =	ssyncadd.s32 $0xFFFFF000  }
0x77: {  	_ =	swait.ge [sflag:s7], $0x1000  }
0x78: {  	[sflag:s7] =	ssyncset.done $0x0  }
0x79: {  	[sflag:s7] =	ssyncadd.s32 $0xFFFFF000  }
0x7a: {  	_ =	swait.ge [sflag:s7], $0x1000  }
0x7b: {  	[sflag:s7] =	ssyncset.done $0x0  }
0x7c: {  	[sflag:s7] =	ssyncadd.s32 $0xFFFFF000  }
0x7d: {  	_ =	swait.ge [sflag:s7], $0x1000  }
0x7e: {  	[sflag:s7] =	ssyncset.done $0x0  }
0x7f: {  	[sflag:s7] =	ssyncadd.s32 $0xFFFFF000  }
0x80: {  	_ =	swait.ge [sflag:s7], $0x1000  }
0x81: {  	[sflag:s7] =	ssyncset.done $0x0  }
0x82: {  	[sflag:s7] =	ssyncadd.s32 $0xFFFFF000  }
0x83: {  	_ =	swait.ge [sflag:s7], $0x1000  }
0x84: {  	[sflag:s7] =	ssyncset.done $0x0  }
0x85: {  	[sflag:s7] =	ssyncadd.s32 $0xFFFFF000  }
0x86: {  	_ =	swait.ge [sflag:s7], $0x1000  }
0x87: {  	[sflag:s7] =	ssyncset.done $0x0  }
0x88: {  	[sflag:s7] =	ssyncadd.s32 $0xFFFFF000  }
0x89: {  	_ =	swait.ge [sflag:s7], $0x1000  }
0x8a: {  	[sflag:s7] =	ssyncset.done $0x0  }
0x8b: {  	[sflag:s7] =	ssyncadd.s32 $0xFFFFF000  }
0x8c: {  	_ =	swait.ge [sflag:s7], $0x1000  }
0x8d: {  	[sflag:s7] =	ssyncset.done $0x0  }
0x8e: {  	[sflag:s7] =	ssyncadd.s32 $0xFFFFF000  }
0x8f: {  	_ =	swait.ge [sflag:s7], $0x1000  }
0x90: {  	[sflag:s7] =	ssyncset.done $0x0  }
0x91: {  	[sflag:s7] =	ssyncadd.s32 $0xFFFFF000  }
0x92: {  	p1 =	sne.s32 s31, $0x1;
	_ =	swait.ge [sflag:s7], $0x1000  }
.Ltmp2:
0x93: {  	[sflag:s7] =	ssyncset.done $0x0;
	(pc) =	sbr.rel @p1 .LBB2_2-.Ltmp2, $4  }
0x94: {  	[sflag:s7] =	ssyncadd.s32 $0xFFFFF000  }
0x95: {  	[hbm4b:s4+s2] =	stream.linear.scatter [tilespmem:s5], [sflag:$0x2], $0xC000, $0x38;
	[tilespmem:$0xC600] =	vst v63  }
0x96: {  	_ =	swait.ge [sflag:s3], $0xC000  }
0x97: {  	s31 =	sadd.s32 $0xFFFFFFFF, s31;
	s1 =	rddreg [dreg:$0x3];
	[sflag:s3] =	ssyncset.done $0x0  }
.LBB2_3:
0x98: {  	[sflag:s3] =	ssyncadd.s32 @p0 $0xFFFF4000  }
0x99: {  	[tilespmem:s2], [sflag:$0x2] =	stream.linear.gather [hbm4b:s1+s2], $0x600, $0x38;
	[tilespmem:$0xC600] =	vst v63  }
0x9a: {  	_ =	swait.ge [sflag:s3], $0x600  }
0x9b: {  	[sflag:s3] =	ssyncset.done $0x0  }
0x9c: {  	[sflag:s3] =	ssyncadd.s32 $0xFFFFFA00  }
0x9d: {  	[tilespmem:s5], [sflag:$0x1] =	stream.indirect.gather [hbm4b:s6+s8], $0x20, s2, s8, $0xb8;
	[tilespmem:$0xC600] =	vst v63  }
0x9e: {  	_ = 	snop  }
0x9f: {  	[tilespmem:s9], [sflag:$0x1] =	stream.indirect.gather [hbm4b:s6+s8], $0x20, s8, s8, $0xb8;
	[tilespmem:$0xC600] =	vst v63  }
0xa0: {  	_ = 	snop  }
0xa1: {  	[tilespmem:s11], [sflag:$0x1] =	stream.indirect.gather [hbm4b:s6+s8], $0x20, s10, s8, $0xb8;
	[tilespmem:$0xC600] =	vst v63  }
0xa2: {  	_ = 	snop  }
0xa3: {  	[tilespmem:s13], [sflag:$0x1] =	stream.indirect.gather [hbm4b:s6+s8], $0x20, s12, s8, $0xb8;
	[tilespmem:$0xC600] =	vst v63  }
0xa4: {  	_ = 	snop  }
0xa5: {  	[tilespmem:s15], [sflag:$0x1] =	stream.indirect.gather [hbm4b:s6+s8], $0x20, s14, s8, $0xb8;
	[tilespmem:$0xC600] =	vst v63  }
0xa6: {  	_ = 	snop  }
0xa7: {  	[tilespmem:s17], [sflag:$0x1] =	stream.indirect.gather [hbm4b:s6+s8], $0x20, s16, s8, $0xb8;
	[tilespmem:$0xC600] =	vst v63  }
0xa8: {  	_ = 	snop  }
0xa9: {  	[tilespmem:s19], [sflag:$0x1] =	stream.indirect.gather [hbm4b:s6+s8], $0x20, s18, s8, $0xb8;
	[tilespmem:$0xC600] =	vst v63  }
0xaa: {  	_ = 	snop  }
0xab: {  	[tilespmem:s21], [sflag:$0x1] =	stream.indirect.gather [hbm4b:s6+s8], $0x20, s20, s8, $0xb8;
	[tilespmem:$0xC600] =	vst v63  }
0xac: {  	_ = 	snop  }
0xad: {  	[tilespmem:s23], [sflag:$0x1] =	stream.indirect.gather [hbm4b:s6+s8], $0x20, s22, s8, $0xb8;
	[tilespmem:$0xC600] =	vst v63  }
0xae: {  	_ = 	snop  }
0xaf: {  	[tilespmem:s25], [sflag:$0x1] =	stream.indirect.gather [hbm4b:s6+s8], $0x20, s24, s8, $0xb8;
	[tilespmem:$0xC600] =	vst v63  }
0xb0: {  	_ = 	snop  }
0xb1: {  	[tilespmem:s28], [sflag:$0x1] =	stream.indirect.gather [hbm4b:s6+s8], $0x20, s26, s8, $0xb8;
	[tilespmem:$0xC600] =	vst v63  }
0xb2: {  	_ = 	snop  }
0xb3: {  	[tilespmem:s30], [sflag:$0x1] =	stream.indirect.gather [hbm4b:s6+s8], $0x20, s29, s8, $0xb8;
	[tilespmem:$0xC600] =	vst v63  }
0xb4: {  	_ =	swait.ge [sflag:s7], $0x1000  }
0xb5: {  	[sflag:s7] =	ssyncset.done $0x0  }
0xb6: {  	[sflag:s7] =	ssyncadd.s32 $0xFFFFF000  }
0xb7: {  	_ =	swait.ge [sflag:s7], $0x1000  }
0xb8: {  	[sflag:s7] =	ssyncset.done $0x0  }
0xb9: {  	[sflag:s7] =	ssyncadd.s32 $0xFFFFF000  }
0xba: {  	_ =	swait.ge [sflag:s7], $0x1000  }
0xbb: {  	[sflag:s7] =	ssyncset.done $0x0  }
0xbc: {  	[sflag:s7] =	ssyncadd.s32 $0xFFFFF000  }
0xbd: {  	_ =	swait.ge [sflag:s7], $0x1000  }
0xbe: {  	[sflag:s7] =	ssyncset.done $0x0  }
0xbf: {  	[sflag:s7] =	ssyncadd.s32 $0xFFFFF000  }
0xc0: {  	_ =	swait.ge [sflag:s7], $0x1000  }
0xc1: {  	[sflag:s7] =	ssyncset.done $0x0  }
0xc2: {  	[sflag:s7] =	ssyncadd.s32 $0xFFFFF000  }
0xc3: {  	_ =	swait.ge [sflag:s7], $0x1000  }
0xc4: {  	[sflag:s7] =	ssyncset.done $0x0  }
0xc5: {  	[sflag:s7] =	ssyncadd.s32 $0xFFFFF000  }
0xc6: {  	_ =	swait.ge [sflag:s7], $0x1000  }
0xc7: {  	[sflag:s7] =	ssyncset.done $0x0  }
0xc8: {  	[sflag:s7] =	ssyncadd.s32 $0xFFFFF000  }
0xc9: {  	_ =	swait.ge [sflag:s7], $0x1000  }
0xca: {  	[sflag:s7] =	ssyncset.done $0x0  }
0xcb: {  	[sflag:s7] =	ssyncadd.s32 $0xFFFFF000  }
0xcc: {  	_ =	swait.ge [sflag:s7], $0x1000  }
0xcd: {  	[sflag:s7] =	ssyncset.done $0x0  }
0xce: {  	[sflag:s7] =	ssyncadd.s32 $0xFFFFF000  }
0xcf: {  	_ =	swait.ge [sflag:s7], $0x1000  }
0xd0: {  	[sflag:s7] =	ssyncset.done $0x0  }
0xd1: {  	[sflag:s7] =	ssyncadd.s32 $0xFFFFF000  }
0xd2: {  	_ =	swait.ge [sflag:s7], $0x1000  }
0xd3: {  	[sflag:s7] =	ssyncset.done $0x0  }
0xd4: {  	[sflag:s7] =	ssyncadd.s32 $0xFFFFF000  }
0xd5: {  	_ =	swait.ge [sflag:s7], $0x1000  }
0xd6: {  	[sflag:s7] =	ssyncset.done $0x0  }
0xd7: {  	[sflag:s7] =	ssyncadd.s32 $0xFFFFF000  }
0xd8: {  	[hbm4b:s4+s2] =	stream.linear.scatter [tilespmem:s5], [sflag:$0x2], $0xC000, $0x38;
	[tilespmem:$0xC600] =	vst v63  }
0xd9: {  	_ =	swait.ge [sflag:s3], $0xC000  }
0xda: {  	[sflag:s3] =	ssyncset.done $0x0  }
0xdb: {  	[sflag:s3] =	ssyncadd.s32 $0xFFFF4000  }
0xdc: {  	_ =	sfence.sel $0x180000  }
0xdd: {  	[bflag:$0x0] =	sbarrier.arrive $0xFFFF  }
0xde: {  	_ =	strace $0x90000047  }
0xdf: {  	[bflag:$0x2] =	sbarrier.arrive $0xFFFF  }
0xe0: {  	p0 =	sne.s32 s0, $0x0;
	s0 =	rddreg [dreg:$0x2]  }
0xe1: {  	s0 =	sadd.s32 @!p0 $0x100000, s0  }
0xe2: {  	[sflag:s0] =	ssyncadd.tile.s32 @!p0 $0x1;
	_ =	shalt  }
.Lfunc_end2:
_tile_overlayer_lowered:
.L_overlay_start_2:
0xe3: {  	(tag) =	ssettag $0x2  }
0xe4: {  	s0 =	rddreg [dreg:$0x0];
	s2 =	stileid.u32  }
0xe5: {  	s1 =	rddreg [dreg:$0x1];
	p0 =	sne.s32 s2, $0x0  }
0xe6: {  	s3 =	rddreg [dreg:$0x2];
	[bflag:$0x3] =	sbarrier.arrive $0xFFFF;
	s2 =	simm.s32 @!p0 $0x1C02  }
0xe7: {  	[timem:s3], [sflag:s2] =	dma.local @!p0 [hbm:s0], s1  }
0xe8: {  	s0 =	simm.s32 @!p0 $0x2  }
0xe9: {  	_ =	swait.ge @!p0 [sflag:s0], s1  }
0xea: {  	s1 =	ssub.s32 @!p0 $0x0, s1;
	[sflag:s0] =	ssyncset.done @!p0 $0x0  }
0xeb: {  	[sflag:s0] =	ssyncadd.s32 @!p0 s1  }
0xec: {  	[bflag:$0x3] =	sbarrier.arrive $0xFFFF  }
0xed: {  	_ =	shalt  }

</sc_bundles>
